<compile_context>
chip_gen: v7x
topology: tpu7x:2x2x1
jax: 0.10.2.dev20260603
libtpu: 0.0.44.dev20260713+nightly
codegen_flags: <defaults>
</compile_context>

<pallas_src>
import functools

import jax
import jax.numpy as jnp
from jax import lax
from jax.experimental import pallas as pl
from jax.experimental.pallas import tpu as pltpu
from jax.experimental.pallas import tpu_sc as plsc

H = 224
W = 224
B = 8
E = 447
F = 128

NC = 2
NS = 16
NW = NC * NS

ITEMS = B * H
PER_W = ITEMS // NW
FIRE = 14
GROUPS = PER_W // FIRE


def _sc_copy_kernel(tab_hbm, dep_hbm, out_hbm, tab_v, dep_v, sem):
    wid = lax.axis_index("s") * NC + lax.axis_index("c")
    dep_cp = pltpu.make_async_copy(dep_hbm, dep_v, sem)
    tab_cp = pltpu.make_async_copy(tab_hbm, tab_v, sem)
    dep_cp.start()
    tab_cp.start()
    dep_cp.wait()
    tab_cp.wait()
    d = dep_v[...][0]

    first = wid * PER_W

    def make_cp(item):
        b = item // H
        i = item % H
        start = jnp.clip(i + d, 0, E - W)
        return pltpu.make_async_copy(
            tab_v.at[pl.ds(start, W), :],
            out_hbm.at[b, pl.ds(i * W, W), :],
            sem,
        )

    def group(g, carry):
        base = first + g * FIRE
        for k in range(FIRE):
            make_cp(base + k).start()
        for k in range(FIRE):
            make_cp(base + k).wait()
        return carry

    lax.fori_loop(0, GROUPS, group, 0)


@functools.partial(
    pl.kernel,
    out_type=jax.ShapeDtypeStruct((B, H * W, F), jnp.float32),
    mesh=plsc.VectorSubcoreMesh(core_axis_name="c", subcore_axis_name="s"),
    scratch_types=[
        pltpu.VMEM((E, F), jnp.float32),
        pltpu.VMEM((16,), jnp.int32),
        pltpu.SemaphoreType.DMA,
    ],
)
def _sc_call(tab_hbm, dep_hbm, out_hbm, tab_v, dep_v, sem):
    _sc_copy_kernel(tab_hbm, dep_hbm, out_hbm, tab_v, dep_v, sem)


def kernel(batch, w, h, embed_weight):
    dep = (
        (jnp.asarray(w, jnp.int32) - W)
        + (jnp.asarray(h, jnp.int32) - H)
        + (jnp.asarray(batch, jnp.int32) - B)
    )
    dep_vec = jnp.full((16,), dep, dtype=jnp.int32)
    return _sc_call(embed_weight, dep_vec)

# --- scband reference (transcript-rebuilt; emitter-appended) ---
"""Pipeline reference for scband-strengthen-spatial-pos-encoding-43679817400640 (READ-ONLY COPY).

The authoritative reference and input builder live on the scoring server;
editing this copy changes nothing except your own understanding.
"""

import jax, jax.numpy as jnp
import numpy as np

NUM_FEATS = 128
EMBED_DIM = 447  # num_embeddings; must be >= w + h - 1

def setup_inputs(seed: int = 0) -> dict:
    key = jax.random.key(seed)
    k_w, = jax.random.split(key, 1)
    # nn.Embedding(embed_dim, num_feats) -> weight shape [embed_dim, num_feats],
    # initialized with nn.init.uniform_ (U[0,1)).
    embed_weight = jax.random.uniform(k_w, (EMBED_DIM, NUM_FEATS), dtype=jnp.float32)
    return {"batch": 8, "w": 224, "h": 224, "embed_weight": embed_weight}

def reference(batch, w, h, embed_weight):
    # Faithful to: for i in range(h): for p in range(i, i+w): emb.append(p)
    # Row-major flatten of (h, w) grid of i + offset.
    w_static, h_static, batch_static = 224, 224, 8
    dep_zero = (jnp.asarray(w, jnp.int32) - w_static) \
             + (jnp.asarray(h, jnp.int32) - h_static) \
             + (jnp.asarray(batch, jnp.int32) - batch_static)
    emb = (jnp.arange(h_static, dtype=jnp.int32)[:, None] + jnp.arange(w_static, dtype=jnp.int32)[None, :]).reshape(-1)
    emb = emb + dep_zero
    pos = jnp.take(embed_weight, emb, axis=0)            # [h*w, num_feats] embedding gather
    pos = jnp.tile(pos[None, :, :], (batch_static, 1, 1))  # pos.repeat(batch, 1, 1)
    return pos

if __name__ == "__main__":
    import jax
    _d = setup_inputs()
    print(jax.jit(kernel)(*tuple(_d.values())))

</pallas_src>

<mosaic_0001>
#map = affine_map<(d0, d1) -> (0, 0)>
#map1 = affine_map<(d0, d1) -> (0)>
#map2 = affine_map<(d0, d1) -> (0, 0, 0)>
module attributes {stable_mosaic.version = 14 : i64} {
  func.func @_sc_call(%arg0: i32, %arg1: i32, %arg2: memref<447x128xf32, #tpu.memory_space<hbm>>, %arg3: memref<16xi32, #tpu.memory_space<hbm>>, %arg4: memref<8x50176x128xf32, #tpu.memory_space<hbm>>, %arg5: memref<447x128xf32, #tpu.memory_space<vmem>>, %arg6: memref<16xi32, #tpu.memory_space<vmem>>, %arg7: memref<!tpu.dma_semaphore, #tpu.memory_space<semaphore_mem>>) attributes {dimension_semantics = [#tpu.dimension_semantics<core_parallel>, #tpu.dimension_semantics<subcore_parallel>], iteration_bounds = array<i64: 2, 16>, scalar_prefetch = 0 : i64, scratch_operands = 3 : i64, tpu.core_type = #tpu.core_type<sc_vector_subcore>, window_params = [{transform_indices = #map}, {transform_indices = #map1}, {transform_indices = #map2}]} {
    %mul3A = arith.constant 2 : i32
    %mul3A_0 = arith.muli %arg1, %mul3A : i32
    %add3A = arith.addi %mul3A_0, %arg0 : i32
    tpu.enqueue_dma source(%arg3 : memref<16xi32, #tpu.memory_space<hbm>>) target(%arg6 : memref<16xi32, #tpu.memory_space<vmem>>) target_semaphore(%arg7 : memref<!tpu.dma_semaphore, #tpu.memory_space<semaphore_mem>>)
    tpu.enqueue_dma source(%arg2 : memref<447x128xf32, #tpu.memory_space<hbm>>) target(%arg5 : memref<447x128xf32, #tpu.memory_space<vmem>>) target_semaphore(%arg7 : memref<!tpu.dma_semaphore, #tpu.memory_space<semaphore_mem>>)
    tpu.wait_dma2 semaphore(%arg7 : memref<!tpu.dma_semaphore, #tpu.memory_space<semaphore_mem>>) src(%arg3 : memref<16xi32, #tpu.memory_space<hbm>>) dst(%arg6 : memref<16xi32, #tpu.memory_space<vmem>>)
    tpu.wait_dma2 semaphore(%arg7 : memref<!tpu.dma_semaphore, #tpu.memory_space<semaphore_mem>>) src(%arg2 : memref<447x128xf32, #tpu.memory_space<hbm>>) dst(%arg5 : memref<447x128xf32, #tpu.memory_space<vmem>>)
    %get3A = arith.constant 0 : index
    %get3A_1 = tpu.vector_load %arg6[%get3A] {strides = array<i32>} : memref<16xi32, #tpu.memory_space<vmem>>, vector<16xi32>,
    %get3A_2 = vector.shape_cast %get3A_1 : vector<16xi32> to vector<16xi32>
    %slice3A = vector.extract_strided_slice %get3A_2 {offsets = [0], sizes = [1], strides = [1]} : vector<16xi32> to vector<1xi32>
    %squeeze3A = vector.extract %slice3A[0] : i32 from vector<1xi32>
    %mul3A_3 = arith.constant 56 : i32
    %mul3A_4 = arith.muli %add3A, %mul3A_3 : i32
    %scan3A = arith.constant 0 : i32
    %scan3A_5 = arith.constant 0 : i32
    %scan3A_6 = arith.constant 4 : i32
    %scan3A_7 = arith.addi %scan3A_5, %scan3A_6 : i32
    %scan3A_8 = arith.constant 1 : i32
    scf.for %scan3A_10 = %scan3A_5 to %scan3A_7 step %scan3A_8  : i32 {
      %mul3A_11 = arith.constant 14 : i32
      %mul3A_12 = arith.muli %scan3A_10, %mul3A_11 : i32
      %add3A_13 = arith.addi %mul3A_4, %mul3A_12 : i32
      %add3A_14 = arith.constant 0 : i32
      %add3A_15 = arith.addi %add3A_13, %add3A_14 : i32
      %jit3A = arith.constant 224 : i32
      %div3A = arith.divsi %add3A_15, %jit3A : i32
      %sign3A = arith.constant 0 : i32
      %sign3A_16 = arith.cmpi sgt, %add3A_15, %sign3A : i32
      %sign3A_17 = arith.extui %sign3A_16 : i1 to i32
      %sign3A_18 = arith.constant 0 : i32
      %sign3A_19 = arith.cmpi slt, %add3A_15, %sign3A_18 : i32
      %sign3A_20 = arith.extui %sign3A_19 : i1 to i32
      %sign3A_21 = arith.subi %sign3A_17, %sign3A_20 : i32
      %sign3A_22 = arith.constant 0 : i32
      %sign3A_23 = arith.cmpi sgt, %jit3A, %sign3A_22 : i32
      %sign3A_24 = arith.extui %sign3A_23 : i1 to i32
      %sign3A_25 = arith.constant 0 : i32
      %sign3A_26 = arith.cmpi slt, %jit3A, %sign3A_25 : i32
      %sign3A_27 = arith.extui %sign3A_26 : i1 to i32
      %sign3A_28 = arith.subi %sign3A_24, %sign3A_27 : i32
      %ne3A = arith.cmpi ne, %sign3A_21, %sign3A_28 : i32
      %rem3A = arith.remsi %add3A_15, %jit3A : i32
      %ne3A_29 = arith.constant 0 : i32
      %ne3A_30 = arith.cmpi ne, %rem3A, %ne3A_29 : i32
      %and3A = arith.andi %ne3A, %ne3A_30 : i1
      %sub3A = arith.constant 1 : i32
      %sub3A_31 = arith.subi %div3A, %sub3A : i32
      %select_n3A = arith.select %and3A, %sub3A_31, %div3A : i32
      %jit3A_32 = arith.constant 224 : i32
      %eq3A = arith.constant 0 : i32
      %eq3A_33 = arith.cmpi eq, %jit3A_32, %eq3A : i32
      %jit3A_34 = arith.constant 1 : i32
      %select_n3A_35 = arith.select %eq3A_33, %jit3A_34, %jit3A_32 : i32
      %rem3A_36 = arith.remsi %add3A_15, %select_n3A_35 : i32
      %ne3A_37 = arith.constant 0 : i32
      %ne3A_38 = arith.cmpi ne, %rem3A_36, %ne3A_37 : i32
      %lt3A = arith.constant 0 : i32
      %lt3A_39 = arith.cmpi slt, %rem3A_36, %lt3A : i32
      %lt3A_40 = arith.constant 0 : i32
      %lt3A_41 = arith.cmpi slt, %select_n3A_35, %lt3A_40 : i32
      %ne3A_42 = arith.xori %lt3A_39, %lt3A_41 : i1
      %and3A_43 = arith.andi %ne3A_42, %ne3A_38 : i1
      %add3A_44 = arith.addi %rem3A_36, %select_n3A_35 : i32
      %select_n3A_45 = arith.select %and3A_43, %add3A_44, %rem3A_36 : i32
      %add3A_46 = arith.addi %select_n3A_45, %squeeze3A : i32
      %jit3A_47 = arith.constant 0 : i32
      %jit3A_48 = arith.constant 223 : i32
      %max3A = arith.maxsi %jit3A_47, %add3A_46 : i32
      %min3A = arith.minsi %jit3A_48, %max3A : i32
      %mul3A_49 = arith.constant 224 : i32
      %mul3A_50 = arith.muli %select_n3A_45, %mul3A_49 : i32
      %dma_start3A = arith.constant 0 : i32
      %dma_start3A_51 = tpu.memref_slice %arg5[%min3A, %dma_start3A] : memref<447x128xf32, #tpu.memory_space<vmem>> -> memref<224x128xf32, #tpu.memory_space<vmem>>
      %dma_start3A_52 = arith.constant 0 : i32
      %dma_start3A_53 = tpu.memref_slice %arg4[%select_n3A, %mul3A_50, %dma_start3A_52] : memref<8x50176x128xf32, #tpu.memory_space<hbm>> -> memref<1x224x128xf32, #tpu.memory_space<hbm>>
      %dma_start3A_54 = tpu.memref_squeeze %dma_start3A_53 : memref<1x224x128xf32, #tpu.memory_space<hbm>> -> memref<224x128xf32, #tpu.memory_space<hbm>>
      %dma_start3A_55 = arith.constant 0 : i32
      %dma_start3A_56 = tpu.memref_slice %arg4[%select_n3A, %mul3A_50, %dma_start3A_55] : memref<8x50176x128xf32, #tpu.memory_space<hbm>> -> memref<1x224x128xf32, #tpu.memory_space<hbm>>
      %dma_start3A_57 = tpu.memref_squeeze %dma_start3A_56 : memref<1x224x128xf32, #tpu.memory_space<hbm>> -> memref<224x128xf32, #tpu.memory_space<hbm>>
      %dma_start3A_58 = arith.constant 0 : i32
      %dma_start3A_59 = tpu.memref_slice %arg5[%min3A, %dma_start3A_58] : memref<447x128xf32, #tpu.memory_space<vmem>> -> memref<224x128xf32, #tpu.memory_space<vmem>>
      tpu.enqueue_dma source(%dma_start3A_59 : memref<224x128xf32, #tpu.memory_space<vmem>>) target(%dma_start3A_57 : memref<224x128xf32, #tpu.memory_space<hbm>>) target_semaphore(%arg7 : memref<!tpu.dma_semaphore, #tpu.memory_space<semaphore_mem>>)
      %add3A_60 = arith.constant 1 : i32
      %add3A_61 = arith.addi %add3A_13, %add3A_60 : i32
      %jit3A_62 = arith.constant 224 : i32
      %div3A_63 = arith.divsi %add3A_61, %jit3A_62 : i32
      %sign3A_64 = arith.constant 0 : i32
      %sign3A_65 = arith.cmpi sgt, %add3A_61, %sign3A_64 : i32
      %sign3A_66 = arith.extui %sign3A_65 : i1 to i32
      %sign3A_67 = arith.constant 0 : i32
      %sign3A_68 = arith.cmpi slt, %add3A_61, %sign3A_67 : i32
      %sign3A_69 = arith.extui %sign3A_68 : i1 to i32
      %sign3A_70 = arith.subi %sign3A_66, %sign3A_69 : i32
      %sign3A_71 = arith.constant 0 : i32
      %sign3A_72 = arith.cmpi sgt, %jit3A_62, %sign3A_71 : i32
      %sign3A_73 = arith.extui %sign3A_72 : i1 to i32
      %sign3A_74 = arith.constant 0 : i32
      %sign3A_75 = arith.cmpi slt, %jit3A_62, %sign3A_74 : i32
      %sign3A_76 = arith.extui %sign3A_75 : i1 to i32
      %sign3A_77 = arith.subi %sign3A_73, %sign3A_76 : i32
      %ne3A_78 = arith.cmpi ne, %sign3A_70, %sign3A_77 : i32
      %rem3A_79 = arith.remsi %add3A_61, %jit3A_62 : i32
      %ne3A_80 = arith.constant 0 : i32
      %ne3A_81 = arith.cmpi ne, %rem3A_79, %ne3A_80 : i32
      %and3A_82 = arith.andi %ne3A_78, %ne3A_81 : i1
      %sub3A_83 = arith.constant 1 : i32
      %sub3A_84 = arith.subi %div3A_63, %sub3A_83 : i32
      %select_n3A_85 = arith.select %and3A_82, %sub3A_84, %div3A_63 : i32
      %jit3A_86 = arith.constant 224 : i32
      %eq3A_87 = arith.constant 0 : i32
      %eq3A_88 = arith.cmpi eq, %jit3A_86, %eq3A_87 : i32
      %jit3A_89 = arith.constant 1 : i32
      %select_n3A_90 = arith.select %eq3A_88, %jit3A_89, %jit3A_86 : i32
      %rem3A_91 = arith.remsi %add3A_61, %select_n3A_90 : i32
      %ne3A_92 = arith.constant 0 : i32
      %ne3A_93 = arith.cmpi ne, %rem3A_91, %ne3A_92 : i32
      %lt3A_94 = arith.constant 0 : i32
      %lt3A_95 = arith.cmpi slt, %rem3A_91, %lt3A_94 : i32
      %lt3A_96 = arith.constant 0 : i32
      %lt3A_97 = arith.cmpi slt, %select_n3A_90, %lt3A_96 : i32
      %ne3A_98 = arith.xori %lt3A_95, %lt3A_97 : i1
      %and3A_99 = arith.andi %ne3A_98, %ne3A_93 : i1
      %add3A_100 = arith.addi %rem3A_91, %select_n3A_90 : i32
      %select_n3A_101 = arith.select %and3A_99, %add3A_100, %rem3A_91 : i32
      %add3A_102 = arith.addi %select_n3A_101, %squeeze3A : i32
      %jit3A_103 = arith.constant 0 : i32
      %jit3A_104 = arith.constant 223 : i32
      %max3A_105 = arith.maxsi %jit3A_103, %add3A_102 : i32
      %min3A_106 = arith.minsi %jit3A_104, %max3A_105 : i32
      %mul3A_107 = arith.constant 224 : i32
      %mul3A_108 = arith.muli %select_n3A_101, %mul3A_107 : i32
      %dma_start3A_109 = arith.constant 0 : i32
      %dma_start3A_110 = tpu.memref_slice %arg5[%min3A_106, %dma_start3A_109] : memref<447x128xf32, #tpu.memory_space<vmem>> -> memref<224x128xf32, #tpu.memory_space<vmem>>
      %dma_start3A_111 = arith.constant 0 : i32
      %dma_start3A_112 = tpu.memref_slice %arg4[%select_n3A_85, %mul3A_108, %dma_start3A_111] : memref<8x50176x128xf32, #tpu.memory_space<hbm>> -> memref<1x224x128xf32, #tpu.memory_space<hbm>>
      %dma_start3A_113 = tpu.memref_squeeze %dma_start3A_112 : memref<1x224x128xf32, #tpu.memory_space<hbm>> -> memref<224x128xf32, #tpu.memory_space<hbm>>
      %dma_start3A_114 = arith.constant 0 : i32
      %dma_start3A_115 = tpu.memref_slice %arg4[%select_n3A_85, %mul3A_108, %dma_start3A_114] : memref<8x50176x128xf32, #tpu.memory_space<hbm>> -> memref<1x224x128xf32, #tpu.memory_space<hbm>>
      %dma_start3A_116 = tpu.memref_squeeze %dma_start3A_115 : memref<1x224x128xf32, #tpu.memory_space<hbm>> -> memref<224x128xf32, #tpu.memory_space<hbm>>
      %dma_start3A_117 = arith.constant 0 : i32
      %dma_start3A_118 = tpu.memref_slice %arg5[%min3A_106, %dma_start3A_117] : memref<447x128xf32, #tpu.memory_space<vmem>> -> memref<224x128xf32, #tpu.memory_space<vmem>>
      tpu.enqueue_dma source(%dma_start3A_118 : memref<224x128xf32, #tpu.memory_space<vmem>>) target(%dma_start3A_116 : memref<224x128xf32, #tpu.memory_space<hbm>>) target_semaphore(%arg7 : memref<!tpu.dma_semaphore, #tpu.memory_space<semaphore_mem>>)
      %add3A_119 = arith.constant 2 : i32
      %add3A_120 = arith.addi %add3A_13, %add3A_119 : i32
      %jit3A_121 = arith.constant 224 : i32
      %div3A_122 = arith.divsi %add3A_120, %jit3A_121 : i32
      %sign3A_123 = arith.constant 0 : i32
      %sign3A_124 = arith.cmpi sgt, %add3A_120, %sign3A_123 : i32
      %sign3A_125 = arith.extui %sign3A_124 : i1 to i32
      %sign3A_126 = arith.constant 0 : i32
      %sign3A_127 = arith.cmpi slt, %add3A_120, %sign3A_126 : i32
      %sign3A_128 = arith.extui %sign3A_127 : i1 to i32
      %sign3A_129 = arith.subi %sign3A_125, %sign3A_128 : i32
      %sign3A_130 = arith.constant 0 : i32
      %sign3A_131 = arith.cmpi sgt, %jit3A_121, %sign3A_130 : i32
      %sign3A_132 = arith.extui %sign3A_131 : i1 to i32
      %sign3A_133 = arith.constant 0 : i32
      %sign3A_134 = arith.cmpi slt, %jit3A_121, %sign3A_133 : i32
      %sign3A_135 = arith.extui %sign3A_134 : i1 to i32
      %sign3A_136 = arith.subi %sign3A_132, %sign3A_135 : i32
      %ne3A_137 = arith.cmpi ne, %sign3A_129, %sign3A_136 : i32
      %rem3A_138 = arith.remsi %add3A_120, %jit3A_121 : i32
      %ne3A_139 = arith.constant 0 : i32
      %ne3A_140 = arith.cmpi ne, %rem3A_138, %ne3A_139 : i32
      %and3A_141 = arith.andi %ne3A_137, %ne3A_140 : i1
      %sub3A_142 = arith.constant 1 : i32
      %sub3A_143 = arith.subi %div3A_122, %sub3A_142 : i32
      %select_n3A_144 = arith.select %and3A_141, %sub3A_143, %div3A_122 : i32
      %jit3A_145 = arith.constant 224 : i32
      %eq3A_146 = arith.constant 0 : i32
      %eq3A_147 = arith.cmpi eq, %jit3A_145, %eq3A_146 : i32
      %jit3A_148 = arith.constant 1 : i32
      %select_n3A_149 = arith.select %eq3A_147, %jit3A_148, %jit3A_145 : i32
      %rem3A_150 = arith.remsi %add3A_120, %select_n3A_149 : i32
      %ne3A_151 = arith.constant 0 : i32
      %ne3A_152 = arith.cmpi ne, %rem3A_150, %ne3A_151 : i32
      %lt3A_153 = arith.constant 0 : i32
      %lt3A_154 = arith.cmpi slt, %rem3A_150, %lt3A_153 : i32
      %lt3A_155 = arith.constant 0 : i32
      %lt3A_156 = arith.cmpi slt, %select_n3A_149, %lt3A_155 : i32
      %ne3A_157 = arith.xori %lt3A_154, %lt3A_156 : i1
      %and3A_158 = arith.andi %ne3A_157, %ne3A_152 : i1
      %add3A_159 = arith.addi %rem3A_150, %select_n3A_149 : i32
      %select_n3A_160 = arith.select %and3A_158, %add3A_159, %rem3A_150 : i32
      %add3A_161 = arith.addi %select_n3A_160, %squeeze3A : i32
      %jit3A_162 = arith.constant 0 : i32
      %jit3A_163 = arith.constant 223 : i32
      %max3A_164 = arith.maxsi %jit3A_162, %add3A_161 : i32
      %min3A_165 = arith.minsi %jit3A_163, %max3A_164 : i32
      %mul3A_166 = arith.constant 224 : i32
      %mul3A_167 = arith.muli %select_n3A_160, %mul3A_166 : i32
      %dma_start3A_168 = arith.constant 0 : i32
      %dma_start3A_169 = tpu.memref_slice %arg5[%min3A_165, %dma_start3A_168] : memref<447x128xf32, #tpu.memory_space<vmem>> -> memref<224x128xf32, #tpu.memory_space<vmem>>
      %dma_start3A_170 = arith.constant 0 : i32
      %dma_start3A_171 = tpu.memref_slice %arg4[%select_n3A_144, %mul3A_167, %dma_start3A_170] : memref<8x50176x128xf32, #tpu.memory_space<hbm>> -> memref<1x224x128xf32, #tpu.memory_space<hbm>>
      %dma_start3A_172 = tpu.memref_squeeze %dma_start3A_171 : memref<1x224x128xf32, #tpu.memory_space<hbm>> -> memref<224x128xf32, #tpu.memory_space<hbm>>
      %dma_start3A_173 = arith.constant 0 : i32
      %dma_start3A_174 = tpu.memref_slice %arg4[%select_n3A_144, %mul3A_167, %dma_start3A_173] : memref<8x50176x128xf32, #tpu.memory_space<hbm>> -> memref<1x224x128xf32, #tpu.memory_space<hbm>>
      %dma_start3A_175 = tpu.memref_squeeze %dma_start3A_174 : memref<1x224x128xf32, #tpu.memory_space<hbm>> -> memref<224x128xf32, #tpu.memory_space<hbm>>
      %dma_start3A_176 = arith.constant 0 : i32
      %dma_start3A_177 = tpu.memref_slice %arg5[%min3A_165, %dma_start3A_176] : memref<447x128xf32, #tpu.memory_space<vmem>> -> memref<224x128xf32, #tpu.memory_space<vmem>>
      tpu.enqueue_dma source(%dma_start3A_177 : memref<224x128xf32, #tpu.memory_space<vmem>>) target(%dma_start3A_175 : memref<224x128xf32, #tpu.memory_space<hbm>>) target_semaphore(%arg7 : memref<!tpu.dma_semaphore, #tpu.memory_space<semaphore_mem>>)
      %add3A_178 = arith.constant 3 : i32
      %add3A_179 = arith.addi %add3A_13, %add3A_178 : i32
      %jit3A_180 = arith.constant 224 : i32
      %div3A_181 = arith.divsi %add3A_179, %jit3A_180 : i32
      %sign3A_182 = arith.constant 0 : i32
      %sign3A_183 = arith.cmpi sgt, %add3A_179, %sign3A_182 : i32
      %sign3A_184 = arith.extui %sign3A_183 : i1 to i32
      %sign3A_185 = arith.constant 0 : i32
      %sign3A_186 = arith.cmpi slt, %add3A_179, %sign3A_185 : i32
      %sign3A_187 = arith.extui %sign3A_186 : i1 to i32
      %sign3A_188 = arith.subi %sign3A_184, %sign3A_187 : i32
      %sign3A_189 = arith.constant 0 : i32
      %sign3A_190 = arith.cmpi sgt, %jit3A_180, %sign3A_189 : i32
      %sign3A_191 = arith.extui %sign3A_190 : i1 to i32
      %sign3A_192 = arith.constant 0 : i32
      %sign3A_193 = arith.cmpi slt, %jit3A_180, %sign3A_192 : i32
      %sign3A_194 = arith.extui %sign3A_193 : i1 to i32
      %sign3A_195 = arith.subi %sign3A_191, %sign3A_194 : i32
      %ne3A_196 = arith.cmpi ne, %sign3A_188, %sign3A_195 : i32
      %rem3A_197 = arith.remsi %add3A_179, %jit3A_180 : i32
      %ne3A_198 = arith.constant 0 : i32
      %ne3A_199 = arith.cmpi ne, %rem3A_197, %ne3A_198 : i32
      %and3A_200 = arith.andi %ne3A_196, %ne3A_199 : i1
      %sub3A_201 = arith.constant 1 : i32
      %sub3A_202 = arith.subi %div3A_181, %sub3A_201 : i32
      %select_n3A_203 = arith.select %and3A_200, %sub3A_202, %div3A_181 : i32
      %jit3A_204 = arith.constant 224 : i32
      %eq3A_205 = arith.constant 0 : i32
      %eq3A_206 = arith.cmpi eq, %jit3A_204, %eq3A_205 : i32
      %jit3A_207 = arith.constant 1 : i32
      %select_n3A_208 = arith.select %eq3A_206, %jit3A_207, %jit3A_204 : i32
      %rem3A_209 = arith.remsi %add3A_179, %select_n3A_208 : i32
      %ne3A_210 = arith.constant 0 : i32
      %ne3A_211 = arith.cmpi ne, %rem3A_209, %ne3A_210 : i32
      %lt3A_212 = arith.constant 0 : i32
      %lt3A_213 = arith.cmpi slt, %rem3A_209, %lt3A_212 : i32
      %lt3A_214 = arith.constant 0 : i32
      %lt3A_215 = arith.cmpi slt, %select_n3A_208, %lt3A_214 : i32
      %ne3A_216 = arith.xori %lt3A_213, %lt3A_215 : i1
      %and3A_217 = arith.andi %ne3A_216, %ne3A_211 : i1
      %add3A_218 = arith.addi %rem3A_209, %select_n3A_208 : i32
      %select_n3A_219 = arith.select %and3A_217, %add3A_218, %rem3A_209 : i32
      %add3A_220 = arith.addi %select_n3A_219, %squeeze3A : i32
      %jit3A_221 = arith.constant 0 : i32
      %jit3A_222 = arith.constant 223 : i32
      %max3A_223 = arith.maxsi %jit3A_221, %add3A_220 : i32
      %min3A_224 = arith.minsi %jit3A_222, %max3A_223 : i32
      %mul3A_225 = arith.constant 224 : i32
      %mul3A_226 = arith.muli %select_n3A_219, %mul3A_225 : i32
      %dma_start3A_227 = arith.constant 0 : i32
      %dma_start3A_228 = tpu.memref_slice %arg5[%min3A_224, %dma_start3A_227] : memref<447x128xf32, #tpu.memory_space<vmem>> -> memref<224x128xf32, #tpu.memory_space<vmem>>
      %dma_start3A_229 = arith.constant 0 : i32
      %dma_start3A_230 = tpu.memref_slice %arg4[%select_n3A_203, %mul3A_226, %dma_start3A_229] : memref<8x50176x128xf32, #tpu.memory_space<hbm>> -> memref<1x224x128xf32, #tpu.memory_space<hbm>>
      %dma_start3A_231 = tpu.memref_squeeze %dma_start3A_230 : memref<1x224x128xf32, #tpu.memory_space<hbm>> -> memref<224x128xf32, #tpu.memory_space<hbm>>
      %dma_start3A_232 = arith.constant 0 : i32
      %dma_start3A_233 = tpu.memref_slice %arg4[%select_n3A_203, %mul3A_226, %dma_start3A_232] : memref<8x50176x128xf32, #tpu.memory_space<hbm>> -> memref<1x224x128xf32, #tpu.memory_space<hbm>>
      %dma_start3A_234 = tpu.memref_squeeze %dma_start3A_233 : memref<1x224x128xf32, #tpu.memory_space<hbm>> -> memref<224x128xf32, #tpu.memory_space<hbm>>
      %dma_start3A_235 = arith.constant 0 : i32
      %dma_start3A_236 = tpu.memref_slice %arg5[%min3A_224, %dma_start3A_235] : memref<447x128xf32, #tpu.memory_space<vmem>> -> memref<224x128xf32, #tpu.memory_space<vmem>>
      tpu.enqueue_dma source(%dma_start3A_236 : memref<224x128xf32, #tpu.memory_space<vmem>>) target(%dma_start3A_234 : memref<224x128xf32, #tpu.memory_space<hbm>>) target_semaphore(%arg7 : memref<!tpu.dma_semaphore, #tpu.memory_space<semaphore_mem>>)
      %add3A_237 = arith.constant 4 : i32
      %add3A_238 = arith.addi %add3A_13, %add3A_237 : i32
      %jit3A_239 = arith.constant 224 : i32
      %div3A_240 = arith.divsi %add3A_238, %jit3A_239 : i32
      %sign3A_241 = arith.constant 0 : i32
      %sign3A_242 = arith.cmpi sgt, %add3A_238, %sign3A_241 : i32
      %sign3A_243 = arith.extui %sign3A_242 : i1 to i32
      %sign3A_244 = arith.constant 0 : i32
      %sign3A_245 = arith.cmpi slt, %add3A_238, %sign3A_244 : i32
      %sign3A_246 = arith.extui %sign3A_245 : i1 to i32
      %sign3A_247 = arith.subi %sign3A_243, %sign3A_246 : i32
      %sign3A_248 = arith.constant 0 : i32
      %sign3A_249 = arith.cmpi sgt, %jit3A_239, %sign3A_248 : i32
      %sign3A_250 = arith.extui %sign3A_249 : i1 to i32
      %sign3A_251 = arith.constant 0 : i32
      %sign3A_252 = arith.cmpi slt, %jit3A_239, %sign3A_251 : i32
      %sign3A_253 = arith.extui %sign3A_252 : i1 to i32
      %sign3A_254 = arith.subi %sign3A_250, %sign3A_253 : i32
      %ne3A_255 = arith.cmpi ne, %sign3A_247, %sign3A_254 : i32
      %rem3A_256 = arith.remsi %add3A_238, %jit3A_239 : i32
      %ne3A_257 = arith.constant 0 : i32
      %ne3A_258 = arith.cmpi ne, %rem3A_256, %ne3A_257 : i32
      %and3A_259 = arith.andi %ne3A_255, %ne3A_258 : i1
      %sub3A_260 = arith.constant 1 : i32
      %sub3A_261 = arith.subi %div3A_240, %sub3A_260 : i32
      %select_n3A_262 = arith.select %and3A_259, %sub3A_261, %div3A_240 : i32
      %jit3A_263 = arith.constant 224 : i32
      %eq3A_264 = arith.constant 0 : i32
      %eq3A_265 = arith.cmpi eq, %jit3A_263, %eq3A_264 : i32
      %jit3A_266 = arith.constant 1 : i32
      %select_n3A_267 = arith.select %eq3A_265, %jit3A_266, %jit3A_263 : i32
      %rem3A_268 = arith.remsi %add3A_238, %select_n3A_267 : i32
      %ne3A_269 = arith.constant 0 : i32
      %ne3A_270 = arith.cmpi ne, %rem3A_268, %ne3A_269 : i32
      %lt3A_271 = arith.constant 0 : i32
      %lt3A_272 = arith.cmpi slt, %rem3A_268, %lt3A_271 : i32
      %lt3A_273 = arith.constant 0 : i32
      %lt3A_274 = arith.cmpi slt, %select_n3A_267, %lt3A_273 : i32
      %ne3A_275 = arith.xori %lt3A_272, %lt3A_274 : i1
      %and3A_276 = arith.andi %ne3A_275, %ne3A_270 : i1
      %add3A_277 = arith.addi %rem3A_268, %select_n3A_267 : i32
      %select_n3A_278 = arith.select %and3A_276, %add3A_277, %rem3A_268 : i32
      %add3A_279 = arith.addi %select_n3A_278, %squeeze3A : i32
      %jit3A_280 = arith.constant 0 : i32
      %jit3A_281 = arith.constant 223 : i32
      %max3A_282 = arith.maxsi %jit3A_280, %add3A_279 : i32
      %min3A_283 = arith.minsi %jit3A_281, %max3A_282 : i32
      %mul3A_284 = arith.constant 224 : i32
      %mul3A_285 = arith.muli %select_n3A_278, %mul3A_284 : i32
      %dma_start3A_286 = arith.constant 0 : i32
      %dma_start3A_287 = tpu.memref_slice %arg5[%min3A_283, %dma_start3A_286] : memref<447x128xf32, #tpu.memory_space<vmem>> -> memref<224x128xf32, #tpu.memory_space<vmem>>
      %dma_start3A_288 = arith.constant 0 : i32
      %dma_start3A_289 = tpu.memref_slice %arg4[%select_n3A_262, %mul3A_285, %dma_start3A_288] : memref<8x50176x128xf32, #tpu.memory_space<hbm>> -> memref<1x224x128xf32, #tpu.memory_space<hbm>>
      %dma_start3A_290 = tpu.memref_squeeze %dma_start3A_289 : memref<1x224x128xf32, #tpu.memory_space<hbm>> -> memref<224x128xf32, #tpu.memory_space<hbm>>
      %dma_start3A_291 = arith.constant 0 : i32
      %dma_start3A_292 = tpu.memref_slice %arg4[%select_n3A_262, %mul3A_285, %dma_start3A_291] : memref<8x50176x128xf32, #tpu.memory_space<hbm>> -> memref<1x224x128xf32, #tpu.memory_space<hbm>>
      %dma_start3A_293 = tpu.memref_squeeze %dma_start3A_292 : memref<1x224x128xf32, #tpu.memory_space<hbm>> -> memref<224x128xf32, #tpu.memory_space<hbm>>
      %dma_start3A_294 = arith.constant 0 : i32
      %dma_start3A_295 = tpu.memref_slice %arg5[%min3A_283, %dma_start3A_294] : memref<447x128xf32, #tpu.memory_space<vmem>> -> memref<224x128xf32, #tpu.memory_space<vmem>>
      tpu.enqueue_dma source(%dma_start3A_295 : memref<224x128xf32, #tpu.memory_space<vmem>>) target(%dma_start3A_293 : memref<224x128xf32, #tpu.memory_space<hbm>>) target_semaphore(%arg7 : memref<!tpu.dma_semaphore, #tpu.memory_space<semaphore_mem>>)
      %add3A_296 = arith.constant 5 : i32
      %add3A_297 = arith.addi %add3A_13, %add3A_296 : i32
      %jit3A_298 = arith.constant 224 : i32
      %div3A_299 = arith.divsi %add3A_297, %jit3A_298 : i32
      %sign3A_300 = arith.constant 0 : i32
      %sign3A_301 = arith.cmpi sgt, %add3A_297, %sign3A_300 : i32
      %sign3A_302 = arith.extui %sign3A_301 : i1 to i32
      %sign3A_303 = arith.constant 0 : i32
      %sign3A_304 = arith.cmpi slt, %add3A_297, %sign3A_303 : i32
      %sign3A_305 = arith.extui %sign3A_304 : i1 to i32
      %sign3A_306 = arith.subi %sign3A_302, %sign3A_305 : i32
      %sign3A_307 = arith.constant 0 : i32
      %sign3A_308 = arith.cmpi sgt, %jit3A_298, %sign3A_307 : i32
      %sign3A_309 = arith.extui %sign3A_308 : i1 to i32
      %sign3A_310 = arith.constant 0 : i32
      %sign3A_311 = arith.cmpi slt, %jit3A_298, %sign3A_310 : i32
      %sign3A_312 = arith.extui %sign3A_311 : i1 to i32
      %sign3A_313 = arith.subi %sign3A_309, %sign3A_312 : i32
      %ne3A_314 = arith.cmpi ne, %sign3A_306, %sign3A_313 : i32
      %rem3A_315 = arith.remsi %add3A_297, %jit3A_298 : i32
      %ne3A_316 = arith.constant 0 : i32
      %ne3A_317 = arith.cmpi ne, %rem3A_315, %ne3A_316 : i32
      %and3A_318 = arith.andi %ne3A_314, %ne3A_317 : i1
      %sub3A_319 = arith.constant 1 : i32
      %sub3A_320 = arith.subi %div3A_299, %sub3A_319 : i32
      %select_n3A_321 = arith.select %and3A_318, %sub3A_320, %div3A_299 : i32
      %jit3A_322 = arith.constant 224 : i32
      %eq3A_323 = arith.constant 0 : i32
      %eq3A_324 = arith.cmpi eq, %jit3A_322, %eq3A_323 : i32
      %jit3A_325 = arith.constant 1 : i32
      %select_n3A_326 = arith.select %eq3A_324, %jit3A_325, %jit3A_322 : i32
      %rem3A_327 = arith.remsi %add3A_297, %select_n3A_326 : i32
      %ne3A_328 = arith.constant 0 : i32
      %ne3A_329 = arith.cmpi ne, %rem3A_327, %ne3A_328 : i32
      %lt3A_330 = arith.constant 0 : i32
      %lt3A_331 = arith.cmpi slt, %rem3A_327, %lt3A_330 : i32
      %lt3A_332 = arith.constant 0 : i32
      %lt3A_333 = arith.cmpi slt, %select_n3A_326, %lt3A_332 : i32
      %ne3A_334 = arith.xori %lt3A_331, %lt3A_333 : i1
      %and3A_335 = arith.andi %ne3A_334, %ne3A_329 : i1
      %add3A_336 = arith.addi %rem3A_327, %select_n3A_326 : i32
      %select_n3A_337 = arith.select %and3A_335, %add3A_336, %rem3A_327 : i32
      %add3A_338 = arith.addi %select_n3A_337, %squeeze3A : i32
      %jit3A_339 = arith.constant 0 : i32
      %jit3A_340 = arith.constant 223 : i32
      %max3A_341 = arith.maxsi %jit3A_339, %add3A_338 : i32
      %min3A_342 = arith.minsi %jit3A_340, %max3A_341 : i32
      %mul3A_343 = arith.constant 224 : i32
      %mul3A_344 = arith.muli %select_n3A_337, %mul3A_343 : i32
      %dma_start3A_345 = arith.constant 0 : i32
      %dma_start3A_346 = tpu.memref_slice %arg5[%min3A_342, %dma_start3A_345] : memref<447x128xf32, #tpu.memory_space<vmem>> -> memref<224x128xf32, #tpu.memory_space<vmem>>
      %dma_start3A_347 = arith.constant 0 : i32
      %dma_start3A_348 = tpu.memref_slice %arg4[%select_n3A_321, %mul3A_344, %dma_start3A_347] : memref<8x50176x128xf32, #tpu.memory_space<hbm>> -> memref<1x224x128xf32, #tpu.memory_space<hbm>>
      %dma_start3A_349 = tpu.memref_squeeze %dma_start3A_348 : memref<1x224x128xf32, #tpu.memory_space<hbm>> -> memref<224x128xf32, #tpu.memory_space<hbm>>
      %dma_start3A_350 = arith.constant 0 : i32
      %dma_start3A_351 = tpu.memref_slice %arg4[%select_n3A_321, %mul3A_344, %dma_start3A_350] : memref<8x50176x128xf32, #tpu.memory_space<hbm>> -> memref<1x224x128xf32, #tpu.memory_space<hbm>>
      %dma_start3A_352 = tpu.memref_squeeze %dma_start3A_351 : memref<1x224x128xf32, #tpu.memory_space<hbm>> -> memref<224x128xf32, #tpu.memory_space<hbm>>
      %dma_start3A_353 = arith.constant 0 : i32
      %dma_start3A_354 = tpu.memref_slice %arg5[%min3A_342, %dma_start3A_353] : memref<447x128xf32, #tpu.memory_space<vmem>> -> memref<224x128xf32, #tpu.memory_space<vmem>>
      tpu.enqueue_dma source(%dma_start3A_354 : memref<224x128xf32, #tpu.memory_space<vmem>>) target(%dma_start3A_352 : memref<224x128xf32, #tpu.memory_space<hbm>>) target_semaphore(%arg7 : memref<!tpu.dma_semaphore, #tpu.memory_space<semaphore_mem>>)
      %add3A_355 = arith.constant 6 : i32
      %add3A_356 = arith.addi %add3A_13, %add3A_355 : i32
      %jit3A_357 = arith.constant 224 : i32
      %div3A_358 = arith.divsi %add3A_356, %jit3A_357 : i32
      %sign3A_359 = arith.constant 0 : i32
      %sign3A_360 = arith.cmpi sgt, %add3A_356, %sign3A_359 : i32
      %sign3A_361 = arith.extui %sign3A_360 : i1 to i32
      %sign3A_362 = arith.constant 0 : i32
      %sign3A_363 = arith.cmpi slt, %add3A_356, %sign3A_362 : i32
      %sign3A_364 = arith.extui %sign3A_363 : i1 to i32
      %sign3A_365 = arith.subi %sign3A_361, %sign3A_364 : i32
      %sign3A_366 = arith.constant 0 : i32
      %sign3A_367 = arith.cmpi sgt, %jit3A_357, %sign3A_366 : i32
      %sign3A_368 = arith.extui %sign3A_367 : i1 to i32
      %sign3A_369 = arith.constant 0 : i32
      %sign3A_370 = arith.cmpi slt, %jit3A_357, %sign3A_369 : i32
      %sign3A_371 = arith.extui %sign3A_370 : i1 to i32
      %sign3A_372 = arith.subi %sign3A_368, %sign3A_371 : i32
      %ne3A_373 = arith.cmpi ne, %sign3A_365, %sign3A_372 : i32
      %rem3A_374 = arith.remsi %add3A_356, %jit3A_357 : i32
      %ne3A_375 = arith.constant 0 : i32
      %ne3A_376 = arith.cmpi ne, %rem3A_374, %ne3A_375 : i32
      %and3A_377 = arith.andi %ne3A_373, %ne3A_376 : i1
      %sub3A_378 = arith.constant 1 : i32
      %sub3A_379 = arith.subi %div3A_358, %sub3A_378 : i32
      %select_n3A_380 = arith.select %and3A_377, %sub3A_379, %div3A_358 : i32
      %jit3A_381 = arith.constant 224 : i32
      %eq3A_382 = arith.constant 0 : i32
      %eq3A_383 = arith.cmpi eq, %jit3A_381, %eq3A_382 : i32
      %jit3A_384 = arith.constant 1 : i32
      %select_n3A_385 = arith.select %eq3A_383, %jit3A_384, %jit3A_381 : i32
      %rem3A_386 = arith.remsi %add3A_356, %select_n3A_385 : i32
      %ne3A_387 = arith.constant 0 : i32
      %ne3A_388 = arith.cmpi ne, %rem3A_386, %ne3A_387 : i32
      %lt3A_389 = arith.constant 0 : i32
      %lt3A_390 = arith.cmpi slt, %rem3A_386, %lt3A_389 : i32
      %lt3A_391 = arith.constant 0 : i32
      %lt3A_392 = arith.cmpi slt, %select_n3A_385, %lt3A_391 : i32
      %ne3A_393 = arith.xori %lt3A_390, %lt3A_392 : i1
      %and3A_394 = arith.andi %ne3A_393, %ne3A_388 : i1
      %add3A_395 = arith.addi %rem3A_386, %select_n3A_385 : i32
      %select_n3A_396 = arith.select %and3A_394, %add3A_395, %rem3A_386 : i32
      %add3A_397 = arith.addi %select_n3A_396, %squeeze3A : i32
      %jit3A_398 = arith.constant 0 : i32
      %jit3A_399 = arith.constant 223 : i32
      %max3A_400 = arith.maxsi %jit3A_398, %add3A_397 : i32
      %min3A_401 = arith.minsi %jit3A_399, %max3A_400 : i32
      %mul3A_402 = arith.constant 224 : i32
      %mul3A_403 = arith.muli %select_n3A_396, %mul3A_402 : i32
      %dma_start3A_404 = arith.constant 0 : i32
      %dma_start3A_405 = tpu.memref_slice %arg5[%min3A_401, %dma_start3A_404] : memref<447x128xf32, #tpu.memory_space<vmem>> -> memref<224x128xf32, #tpu.memory_space<vmem>>
      %dma_start3A_406 = arith.constant 0 : i32
      %dma_start3A_407 = tpu.memref_slice %arg4[%select_n3A_380, %mul3A_403, %dma_start3A_406] : memref<8x50176x128xf32, #tpu.memory_space<hbm>> -> memref<1x224x128xf32, #tpu.memory_space<hbm>>
      %dma_start3A_408 = tpu.memref_squeeze %dma_start3A_407 : memref<1x224x128xf32, #tpu.memory_space<hbm>> -> memref<224x128xf32, #tpu.memory_space<hbm>>
      %dma_start3A_409 = arith.constant 0 : i32
      %dma_start3A_410 = tpu.memref_slice %arg4[%select_n3A_380, %mul3A_403, %dma_start3A_409] : memref<8x50176x128xf32, #tpu.memory_space<hbm>> -> memref<1x224x128xf32, #tpu.memory_space<hbm>>
      %dma_start3A_411 = tpu.memref_squeeze %dma_start3A_410 : memref<1x224x128xf32, #tpu.memory_space<hbm>> -> memref<224x128xf32, #tpu.memory_space<hbm>>
      %dma_start3A_412 = arith.constant 0 : i32
      %dma_start3A_413 = tpu.memref_slice %arg5[%min3A_401, %dma_start3A_412] : memref<447x128xf32, #tpu.memory_space<vmem>> -> memref<224x128xf32, #tpu.memory_space<vmem>>
      tpu.enqueue_dma source(%dma_start3A_413 : memref<224x128xf32, #tpu.memory_space<vmem>>) target(%dma_start3A_411 : memref<224x128xf32, #tpu.memory_space<hbm>>) target_semaphore(%arg7 : memref<!tpu.dma_semaphore, #tpu.memory_space<semaphore_mem>>)
      %add3A_414 = arith.constant 7 : i32
      %add3A_415 = arith.addi %add3A_13, %add3A_414 : i32
      %jit3A_416 = arith.constant 224 : i32
      %div3A_417 = arith.divsi %add3A_415, %jit3A_416 : i32
      %sign3A_418 = arith.constant 0 : i32
      %sign3A_419 = arith.cmpi sgt, %add3A_415, %sign3A_418 : i32
      %sign3A_420 = arith.extui %sign3A_419 : i1 to i32
      %sign3A_421 = arith.constant 0 : i32
      %sign3A_422 = arith.cmpi slt, %add3A_415, %sign3A_421 : i32
      %sign3A_423 = arith.extui %sign3A_422 : i1 to i32
      %sign3A_424 = arith.subi %sign3A_420, %sign3A_423 : i32
      %sign3A_425 = arith.constant 0 : i32
      %sign3A_426 = arith.cmpi sgt, %jit3A_416, %sign3A_425 : i32
      %sign3A_427 = arith.extui %sign3A_426 : i1 to i32
      %sign3A_428 = arith.constant 0 : i32
      %sign3A_429 = arith.cmpi slt, %jit3A_416, %sign3A_428 : i32
      %sign3A_430 = arith.extui %sign3A_429 : i1 to i32
      %sign3A_431 = arith.subi %sign3A_427, %sign3A_430 : i32
      %ne3A_432 = arith.cmpi ne, %sign3A_424, %sign3A_431 : i32
      %rem3A_433 = arith.remsi %add3A_415, %jit3A_416 : i32
      %ne3A_434 = arith.constant 0 : i32
      %ne3A_435 = arith.cmpi ne, %rem3A_433, %ne3A_434 : i32
      %and3A_436 = arith.andi %ne3A_432, %ne3A_435 : i1
      %sub3A_437 = arith.constant 1 : i32
      %sub3A_438 = arith.subi %div3A_417, %sub3A_437 : i32
      %select_n3A_439 = arith.select %and3A_436, %sub3A_438, %div3A_417 : i32
      %jit3A_440 = arith.constant 224 : i32
      %eq3A_441 = arith.constant 0 : i32
      %eq3A_442 = arith.cmpi eq, %jit3A_440, %eq3A_441 : i32
      %jit3A_443 = arith.constant 1 : i32
      %select_n3A_444 = arith.select %eq3A_442, %jit3A_443, %jit3A_440 : i32
      %rem3A_445 = arith.remsi %add3A_415, %select_n3A_444 : i32
      %ne3A_446 = arith.constant 0 : i32
      %ne3A_447 = arith.cmpi ne, %rem3A_445, %ne3A_446 : i32
      %lt3A_448 = arith.constant 0 : i32
      %lt3A_449 = arith.cmpi slt, %rem3A_445, %lt3A_448 : i32
      %lt3A_450 = arith.constant 0 : i32
      %lt3A_451 = arith.cmpi slt, %select_n3A_444, %lt3A_450 : i32
      %ne3A_452 = arith.xori %lt3A_449, %lt3A_451 : i1
      %and3A_453 = arith.andi %ne3A_452, %ne3A_447 : i1
      %add3A_454 = arith.addi %rem3A_445, %select_n3A_444 : i32
      %select_n3A_455 = arith.select %and3A_453, %add3A_454, %rem3A_445 : i32
      %add3A_456 = arith.addi %select_n3A_455, %squeeze3A : i32
      %jit3A_457 = arith.constant 0 : i32
      %jit3A_458 = arith.constant 223 : i32
      %max3A_459 = arith.maxsi %jit3A_457, %add3A_456 : i32
      %min3A_460 = arith.minsi %jit3A_458, %max3A_459 : i32
      %mul3A_461 = arith.constant 224 : i32
      %mul3A_462 = arith.muli %select_n3A_455, %mul3A_461 : i32
      %dma_start3A_463 = arith.constant 0 : i32
      %dma_start3A_464 = tpu.memref_slice %arg5[%min3A_460, %dma_start3A_463] : memref<447x128xf32, #tpu.memory_space<vmem>> -> memref<224x128xf32, #tpu.memory_space<vmem>>
      %dma_start3A_465 = arith.constant 0 : i32
      %dma_start3A_466 = tpu.memref_slice %arg4[%select_n3A_439, %mul3A_462, %dma_start3A_465] : memref<8x50176x128xf32, #tpu.memory_space<hbm>> -> memref<1x224x128xf32, #tpu.memory_space<hbm>>
      %dma_start3A_467 = tpu.memref_squeeze %dma_start3A_466 : memref<1x224x128xf32, #tpu.memory_space<hbm>> -> memref<224x128xf32, #tpu.memory_space<hbm>>
      %dma_start3A_468 = arith.constant 0 : i32
      %dma_start3A_469 = tpu.memref_slice %arg4[%select_n3A_439, %mul3A_462, %dma_start3A_468] : memref<8x50176x128xf32, #tpu.memory_space<hbm>> -> memref<1x224x128xf32, #tpu.memory_space<hbm>>
      %dma_start3A_470 = tpu.memref_squeeze %dma_start3A_469 : memref<1x224x128xf32, #tpu.memory_space<hbm>> -> memref<224x128xf32, #tpu.memory_space<hbm>>
      %dma_start3A_471 = arith.constant 0 : i32
      %dma_start3A_472 = tpu.memref_slice %arg5[%min3A_460, %dma_start3A_471] : memref<447x128xf32, #tpu.memory_space<vmem>> -> memref<224x128xf32, #tpu.memory_space<vmem>>
      tpu.enqueue_dma source(%dma_start3A_472 : memref<224x128xf32, #tpu.memory_space<vmem>>) target(%dma_start3A_470 : memref<224x128xf32, #tpu.memory_space<hbm>>) target_semaphore(%arg7 : memref<!tpu.dma_semaphore, #tpu.memory_space<semaphore_mem>>)
      %add3A_473 = arith.constant 8 : i32
      %add3A_474 = arith.addi %add3A_13, %add3A_473 : i32
      %jit3A_475 = arith.constant 224 : i32
      %div3A_476 = arith.divsi %add3A_474, %jit3A_475 : i32
      %sign3A_477 = arith.constant 0 : i32
      %sign3A_478 = arith.cmpi sgt, %add3A_474, %sign3A_477 : i32
      %sign3A_479 = arith.extui %sign3A_478 : i1 to i32
      %sign3A_480 = arith.constant 0 : i32
      %sign3A_481 = arith.cmpi slt, %add3A_474, %sign3A_480 : i32
      %sign3A_482 = arith.extui %sign3A_481 : i1 to i32
      %sign3A_483 = arith.subi %sign3A_479, %sign3A_482 : i32
      %sign3A_484 = arith.constant 0 : i32
      %sign3A_485 = arith.cmpi sgt, %jit3A_475, %sign3A_484 : i32
      %sign3A_486 = arith.extui %sign3A_485 : i1 to i32
      %sign3A_487 = arith.constant 0 : i32
      %sign3A_488 = arith.cmpi slt, %jit3A_475, %sign3A_487 : i32
      %sign3A_489 = arith.extui %sign3A_488 : i1 to i32
      %sign3A_490 = arith.subi %sign3A_486, %sign3A_489 : i32
      %ne3A_491 = arith.cmpi ne, %sign3A_483, %sign3A_490 : i32
      %rem3A_492 = arith.remsi %add3A_474, %jit3A_475 : i32
      %ne3A_493 = arith.constant 0 : i32
      %ne3A_494 = arith.cmpi ne, %rem3A_492, %ne3A_493 : i32
      %and3A_495 = arith.andi %ne3A_491, %ne3A_494 : i1
      %sub3A_496 = arith.constant 1 : i32
      %sub3A_497 = arith.subi %div3A_476, %sub3A_496 : i32
      %select_n3A_498 = arith.select %and3A_495, %sub3A_497, %div3A_476 : i32
      %jit3A_499 = arith.constant 224 : i32
      %eq3A_500 = arith.constant 0 : i32
      %eq3A_501 = arith.cmpi eq, %jit3A_499, %eq3A_500 : i32
      %jit3A_502 = arith.constant 1 : i32
      %select_n3A_503 = arith.select %eq3A_501, %jit3A_502, %jit3A_499 : i32
      %rem3A_504 = arith.remsi %add3A_474, %select_n3A_503 : i32
      %ne3A_505 = arith.constant 0 : i32
      %ne3A_506 = arith.cmpi ne, %rem3A_504, %ne3A_505 : i32
      %lt3A_507 = arith.constant 0 : i32
      %lt3A_508 = arith.cmpi slt, %rem3A_504, %lt3A_507 : i32
      %lt3A_509 = arith.constant 0 : i32
      %lt3A_510 = arith.cmpi slt, %select_n3A_503, %lt3A_509 : i32
      %ne3A_511 = arith.xori %lt3A_508, %lt3A_510 : i1
      %and3A_512 = arith.andi %ne3A_511, %ne3A_506 : i1
      %add3A_513 = arith.addi %rem3A_504, %select_n3A_503 : i32
      %select_n3A_514 = arith.select %and3A_512, %add3A_513, %rem3A_504 : i32
      %add3A_515 = arith.addi %select_n3A_514, %squeeze3A : i32
      %jit3A_516 = arith.constant 0 : i32
      %jit3A_517 = arith.constant 223 : i32
      %max3A_518 = arith.maxsi %jit3A_516, %add3A_515 : i32
      %min3A_519 = arith.minsi %jit3A_517, %max3A_518 : i32
      %mul3A_520 = arith.constant 224 : i32
      %mul3A_521 = arith.muli %select_n3A_514, %mul3A_520 : i32
      %dma_start3A_522 = arith.constant 0 : i32
      %dma_start3A_523 = tpu.memref_slice %arg5[%min3A_519, %dma_start3A_522] : memref<447x128xf32, #tpu.memory_space<vmem>> -> memref<224x128xf32, #tpu.memory_space<vmem>>
      %dma_start3A_524 = arith.constant 0 : i32
      %dma_start3A_525 = tpu.memref_slice %arg4[%select_n3A_498, %mul3A_521, %dma_start3A_524] : memref<8x50176x128xf32, #tpu.memory_space<hbm>> -> memref<1x224x128xf32, #tpu.memory_space<hbm>>
      %dma_start3A_526 = tpu.memref_squeeze %dma_start3A_525 : memref<1x224x128xf32, #tpu.memory_space<hbm>> -> memref<224x128xf32, #tpu.memory_space<hbm>>
      %dma_start3A_527 = arith.constant 0 : i32
      %dma_start3A_528 = tpu.memref_slice %arg4[%select_n3A_498, %mul3A_521, %dma_start3A_527] : memref<8x50176x128xf32, #tpu.memory_space<hbm>> -> memref<1x224x128xf32, #tpu.memory_space<hbm>>
      %dma_start3A_529 = tpu.memref_squeeze %dma_start3A_528 : memref<1x224x128xf32, #tpu.memory_space<hbm>> -> memref<224x128xf32, #tpu.memory_space<hbm>>
      %dma_start3A_530 = arith.constant 0 : i32
      %dma_start3A_531 = tpu.memref_slice %arg5[%min3A_519, %dma_start3A_530] : memref<447x128xf32, #tpu.memory_space<vmem>> -> memref<224x128xf32, #tpu.memory_space<vmem>>
      tpu.enqueue_dma source(%dma_start3A_531 : memref<224x128xf32, #tpu.memory_space<vmem>>) target(%dma_start3A_529 : memref<224x128xf32, #tpu.memory_space<hbm>>) target_semaphore(%arg7 : memref<!tpu.dma_semaphore, #tpu.memory_space<semaphore_mem>>)
      %add3A_532 = arith.constant 9 : i32
      %add3A_533 = arith.addi %add3A_13, %add3A_532 : i32
      %jit3A_534 = arith.constant 224 : i32
      %div3A_535 = arith.divsi %add3A_533, %jit3A_534 : i32
      %sign3A_536 = arith.constant 0 : i32
      %sign3A_537 = arith.cmpi sgt, %add3A_533, %sign3A_536 : i32
      %sign3A_538 = arith.extui %sign3A_537 : i1 to i32
      %sign3A_539 = arith.constant 0 : i32
      %sign3A_540 = arith.cmpi slt, %add3A_533, %sign3A_539 : i32
      %sign3A_541 = arith.extui %sign3A_540 : i1 to i32
      %sign3A_542 = arith.subi %sign3A_538, %sign3A_541 : i32
      %sign3A_543 = arith.constant 0 : i32
      %sign3A_544 = arith.cmpi sgt, %jit3A_534, %sign3A_543 : i32
      %sign3A_545 = arith.extui %sign3A_544 : i1 to i32
      %sign3A_546 = arith.constant 0 : i32
      %sign3A_547 = arith.cmpi slt, %jit3A_534, %sign3A_546 : i32
      %sign3A_548 = arith.extui %sign3A_547 : i1 to i32
      %sign3A_549 = arith.subi %sign3A_545, %sign3A_548 : i32
      %ne3A_550 = arith.cmpi ne, %sign3A_542, %sign3A_549 : i32
      %rem3A_551 = arith.remsi %add3A_533, %jit3A_534 : i32
      %ne3A_552 = arith.constant 0 : i32
      %ne3A_553 = arith.cmpi ne, %rem3A_551, %ne3A_552 : i32
      %and3A_554 = arith.andi %ne3A_550, %ne3A_553 : i1
      %sub3A_555 = arith.constant 1 : i32
      %sub3A_556 = arith.subi %div3A_535, %sub3A_555 : i32
      %select_n3A_557 = arith.select %and3A_554, %sub3A_556, %div3A_535 : i32
      %jit3A_558 = arith.constant 224 : i32
      %eq3A_559 = arith.constant 0 : i32
      %eq3A_560 = arith.cmpi eq, %jit3A_558, %eq3A_559 : i32
      %jit3A_561 = arith.constant 1 : i32
      %select_n3A_562 = arith.select %eq3A_560, %jit3A_561, %jit3A_558 : i32
      %rem3A_563 = arith.remsi %add3A_533, %select_n3A_562 : i32
      %ne3A_564 = arith.constant 0 : i32
      %ne3A_565 = arith.cmpi ne, %rem3A_563, %ne3A_564 : i32
      %lt3A_566 = arith.constant 0 : i32
      %lt3A_567 = arith.cmpi slt, %rem3A_563, %lt3A_566 : i32
      %lt3A_568 = arith.constant 0 : i32
      %lt3A_569 = arith.cmpi slt, %select_n3A_562, %lt3A_568 : i32
      %ne3A_570 = arith.xori %lt3A_567, %lt3A_569 : i1
      %and3A_571 = arith.andi %ne3A_570, %ne3A_565 : i1
      %add3A_572 = arith.addi %rem3A_563, %select_n3A_562 : i32
      %select_n3A_573 = arith.select %and3A_571, %add3A_572, %rem3A_563 : i32
      %add3A_574 = arith.addi %select_n3A_573, %squeeze3A : i32
      %jit3A_575 = arith.constant 0 : i32
      %jit3A_576 = arith.constant 223 : i32
      %max3A_577 = arith.maxsi %jit3A_575, %add3A_574 : i32
      %min3A_578 = arith.minsi %jit3A_576, %max3A_577 : i32
      %mul3A_579 = arith.constant 224 : i32
      %mul3A_580 = arith.muli %select_n3A_573, %mul3A_579 : i32
      %dma_start3A_581 = arith.constant 0 : i32
      %dma_start3A_582 = tpu.memref_slice %arg5[%min3A_578, %dma_start3A_581] : memref<447x128xf32, #tpu.memory_space<vmem>> -> memref<224x128xf32, #tpu.memory_space<vmem>>
      %dma_start3A_583 = arith.constant 0 : i32
      %dma_start3A_584 = tpu.memref_slice %arg4[%select_n3A_557, %mul3A_580, %dma_start3A_583] : memref<8x50176x128xf32, #tpu.memory_space<hbm>> -> memref<1x224x128xf32, #tpu.memory_space<hbm>>
      %dma_start3A_585 = tpu.memref_squeeze %dma_start3A_584 : memref<1x224x128xf32, #tpu.memory_space<hbm>> -> memref<224x128xf32, #tpu.memory_space<hbm>>
      %dma_start3A_586 = arith.constant 0 : i32
      %dma_start3A_587 = tpu.memref_slice %arg4[%select_n3A_557, %mul3A_580, %dma_start3A_586] : memref<8x50176x128xf32, #tpu.memory_space<hbm>> -> memref<1x224x128xf32, #tpu.memory_space<hbm>>
      %dma_start3A_588 = tpu.memref_squeeze %dma_start3A_587 : memref<1x224x128xf32, #tpu.memory_space<hbm>> -> memref<224x128xf32, #tpu.memory_space<hbm>>
      %dma_start3A_589 = arith.constant 0 : i32
      %dma_start3A_590 = tpu.memref_slice %arg5[%min3A_578, %dma_start3A_589] : memref<447x128xf32, #tpu.memory_space<vmem>> -> memref<224x128xf32, #tpu.memory_space<vmem>>
      tpu.enqueue_dma source(%dma_start3A_590 : memref<224x128xf32, #tpu.memory_space<vmem>>) target(%dma_start3A_588 : memref<224x128xf32, #tpu.memory_space<hbm>>) target_semaphore(%arg7 : memref<!tpu.dma_semaphore, #tpu.memory_space<semaphore_mem>>)
      %add3A_591 = arith.constant 10 : i32
      %add3A_592 = arith.addi %add3A_13, %add3A_591 : i32
      %jit3A_593 = arith.constant 224 : i32
      %div3A_594 = arith.divsi %add3A_592, %jit3A_593 : i32
      %sign3A_595 = arith.constant 0 : i32
      %sign3A_596 = arith.cmpi sgt, %add3A_592, %sign3A_595 : i32
      %sign3A_597 = arith.extui %sign3A_596 : i1 to i32
      %sign3A_598 = arith.constant 0 : i32
      %sign3A_599 = arith.cmpi slt, %add3A_592, %sign3A_598 : i32
      %sign3A_600 = arith.extui %sign3A_599 : i1 to i32
      %sign3A_601 = arith.subi %sign3A_597, %sign3A_600 : i32
      %sign3A_602 = arith.constant 0 : i32
      %sign3A_603 = arith.cmpi sgt, %jit3A_593, %sign3A_602 : i32
      %sign3A_604 = arith.extui %sign3A_603 : i1 to i32
      %sign3A_605 = arith.constant 0 : i32
      %sign3A_606 = arith.cmpi slt, %jit3A_593, %sign3A_605 : i32
      %sign3A_607 = arith.extui %sign3A_606 : i1 to i32
      %sign3A_608 = arith.subi %sign3A_604, %sign3A_607 : i32
      %ne3A_609 = arith.cmpi ne, %sign3A_601, %sign3A_608 : i32
      %rem3A_610 = arith.remsi %add3A_592, %jit3A_593 : i32
      %ne3A_611 = arith.constant 0 : i32
      %ne3A_612 = arith.cmpi ne, %rem3A_610, %ne3A_611 : i32
      %and3A_613 = arith.andi %ne3A_609, %ne3A_612 : i1
      %sub3A_614 = arith.constant 1 : i32
      %sub3A_615 = arith.subi %div3A_594, %sub3A_614 : i32
      %select_n3A_616 = arith.select %and3A_613, %sub3A_615, %div3A_594 : i32
      %jit3A_617 = arith.constant 224 : i32
      %eq3A_618 = arith.constant 0 : i32
      %eq3A_619 = arith.cmpi eq, %jit3A_617, %eq3A_618 : i32
      %jit3A_620 = arith.constant 1 : i32
      %select_n3A_621 = arith.select %eq3A_619, %jit3A_620, %jit3A_617 : i32
      %rem3A_622 = arith.remsi %add3A_592, %select_n3A_621 : i32
      %ne3A_623 = arith.constant 0 : i32
      %ne3A_624 = arith.cmpi ne, %rem3A_622, %ne3A_623 : i32
      %lt3A_625 = arith.constant 0 : i32
      %lt3A_626 = arith.cmpi slt, %rem3A_622, %lt3A_625 : i32
      %lt3A_627 = arith.constant 0 : i32
      %lt3A_628 = arith.cmpi slt, %select_n3A_621, %lt3A_627 : i32
      %ne3A_629 = arith.xori %lt3A_626, %lt3A_628 : i1
      %and3A_630 = arith.andi %ne3A_629, %ne3A_624 : i1
      %add3A_631 = arith.addi %rem3A_622, %select_n3A_621 : i32
      %select_n3A_632 = arith.select %and3A_630, %add3A_631, %rem3A_622 : i32
      %add3A_633 = arith.addi %select_n3A_632, %squeeze3A : i32
      %jit3A_634 = arith.constant 0 : i32
      %jit3A_635 = arith.constant 223 : i32
      %max3A_636 = arith.maxsi %jit3A_634, %add3A_633 : i32
      %min3A_637 = arith.minsi %jit3A_635, %max3A_636 : i32
      %mul3A_638 = arith.constant 224 : i32
      %mul3A_639 = arith.muli %select_n3A_632, %mul3A_638 : i32
      %dma_start3A_640 = arith.constant 0 : i32
      %dma_start3A_641 = tpu.memref_slice %arg5[%min3A_637, %dma_start3A_640] : memref<447x128xf32, #tpu.memory_space<vmem>> -> memref<224x128xf32, #tpu.memory_space<vmem>>
      %dma_start3A_642 = arith.constant 0 : i32
      %dma_start3A_643 = tpu.memref_slice %arg4[%select_n3A_616, %mul3A_639, %dma_start3A_642] : memref<8x50176x128xf32, #tpu.memory_space<hbm>> -> memref<1x224x128xf32, #tpu.memory_space<hbm>>
      %dma_start3A_644 = tpu.memref_squeeze %dma_start3A_643 : memref<1x224x128xf32, #tpu.memory_space<hbm>> -> memref<224x128xf32, #tpu.memory_space<hbm>>
      %dma_start3A_645 = arith.constant 0 : i32
      %dma_start3A_646 = tpu.memref_slice %arg4[%select_n3A_616, %mul3A_639, %dma_start3A_645] : memref<8x50176x128xf32, #tpu.memory_space<hbm>> -> memref<1x224x128xf32, #tpu.memory_space<hbm>>
      %dma_start3A_647 = tpu.memref_squeeze %dma_start3A_646 : memref<1x224x128xf32, #tpu.memory_space<hbm>> -> memref<224x128xf32, #tpu.memory_space<hbm>>
      %dma_start3A_648 = arith.constant 0 : i32
      %dma_start3A_649 = tpu.memref_slice %arg5[%min3A_637, %dma_start3A_648] : memref<447x128xf32, #tpu.memory_space<vmem>> -> memref<224x128xf32, #tpu.memory_space<vmem>>
      tpu.enqueue_dma source(%dma_start3A_649 : memref<224x128xf32, #tpu.memory_space<vmem>>) target(%dma_start3A_647 : memref<224x128xf32, #tpu.memory_space<hbm>>) target_semaphore(%arg7 : memref<!tpu.dma_semaphore, #tpu.memory_space<semaphore_mem>>)
      %add3A_650 = arith.constant 11 : i32
      %add3A_651 = arith.addi %add3A_13, %add3A_650 : i32
      %jit3A_652 = arith.constant 224 : i32
      %div3A_653 = arith.divsi %add3A_651, %jit3A_652 : i32
      %sign3A_654 = arith.constant 0 : i32
      %sign3A_655 = arith.cmpi sgt, %add3A_651, %sign3A_654 : i32
      %sign3A_656 = arith.extui %sign3A_655 : i1 to i32
      %sign3A_657 = arith.constant 0 : i32
      %sign3A_658 = arith.cmpi slt, %add3A_651, %sign3A_657 : i32
      %sign3A_659 = arith.extui %sign3A_658 : i1 to i32
      %sign3A_660 = arith.subi %sign3A_656, %sign3A_659 : i32
      %sign3A_661 = arith.constant 0 : i32
      %sign3A_662 = arith.cmpi sgt, %jit3A_652, %sign3A_661 : i32
      %sign3A_663 = arith.extui %sign3A_662 : i1 to i32
      %sign3A_664 = arith.constant 0 : i32
      %sign3A_665 = arith.cmpi slt, %jit3A_652, %sign3A_664 : i32
      %sign3A_666 = arith.extui %sign3A_665 : i1 to i32
      %sign3A_667 = arith.subi %sign3A_663, %sign3A_666 : i32
      %ne3A_668 = arith.cmpi ne, %sign3A_660, %sign3A_667 : i32
      %rem3A_669 = arith.remsi %add3A_651, %jit3A_652 : i32
      %ne3A_670 = arith.constant 0 : i32
      %ne3A_671 = arith.cmpi ne, %rem3A_669, %ne3A_670 : i32
      %and3A_672 = arith.andi %ne3A_668, %ne3A_671 : i1
      %sub3A_673 = arith.constant 1 : i32
      %sub3A_674 = arith.subi %div3A_653, %sub3A_673 : i32
      %select_n3A_675 = arith.select %and3A_672, %sub3A_674, %div3A_653 : i32
      %jit3A_676 = arith.constant 224 : i32
      %eq3A_677 = arith.constant 0 : i32
      %eq3A_678 = arith.cmpi eq, %jit3A_676, %eq3A_677 : i32
      %jit3A_679 = arith.constant 1 : i32
      %select_n3A_680 = arith.select %eq3A_678, %jit3A_679, %jit3A_676 : i32
      %rem3A_681 = arith.remsi %add3A_651, %select_n3A_680 : i32
      %ne3A_682 = arith.constant 0 : i32
      %ne3A_683 = arith.cmpi ne, %rem3A_681, %ne3A_682 : i32
      %lt3A_684 = arith.constant 0 : i32
      %lt3A_685 = arith.cmpi slt, %rem3A_681, %lt3A_684 : i32
      %lt3A_686 = arith.constant 0 : i32
      %lt3A_687 = arith.cmpi slt, %select_n3A_680, %lt3A_686 : i32
      %ne3A_688 = arith.xori %lt3A_685, %lt3A_687 : i1
      %and3A_689 = arith.andi %ne3A_688, %ne3A_683 : i1
      %add3A_690 = arith.addi %rem3A_681, %select_n3A_680 : i32
      %select_n3A_691 = arith.select %and3A_689, %add3A_690, %rem3A_681 : i32
      %add3A_692 = arith.addi %select_n3A_691, %squeeze3A : i32
      %jit3A_693 = arith.constant 0 : i32
      %jit3A_694 = arith.constant 223 : i32
      %max3A_695 = arith.maxsi %jit3A_693, %add3A_692 : i32
      %min3A_696 = arith.minsi %jit3A_694, %max3A_695 : i32
      %mul3A_697 = arith.constant 224 : i32
      %mul3A_698 = arith.muli %select_n3A_691, %mul3A_697 : i32
      %dma_start3A_699 = arith.constant 0 : i32
      %dma_start3A_700 = tpu.memref_slice %arg5[%min3A_696, %dma_start3A_699] : memref<447x128xf32, #tpu.memory_space<vmem>> -> memref<224x128xf32, #tpu.memory_space<vmem>>
      %dma_start3A_701 = arith.constant 0 : i32
      %dma_start3A_702 = tpu.memref_slice %arg4[%select_n3A_675, %mul3A_698, %dma_start3A_701] : memref<8x50176x128xf32, #tpu.memory_space<hbm>> -> memref<1x224x128xf32, #tpu.memory_space<hbm>>
      %dma_start3A_703 = tpu.memref_squeeze %dma_start3A_702 : memref<1x224x128xf32, #tpu.memory_space<hbm>> -> memref<224x128xf32, #tpu.memory_space<hbm>>
      %dma_start3A_704 = arith.constant 0 : i32
      %dma_start3A_705 = tpu.memref_slice %arg4[%select_n3A_675, %mul3A_698, %dma_start3A_704] : memref<8x50176x128xf32, #tpu.memory_space<hbm>> -> memref<1x224x128xf32, #tpu.memory_space<hbm>>
      %dma_start3A_706 = tpu.memref_squeeze %dma_start3A_705 : memref<1x224x128xf32, #tpu.memory_space<hbm>> -> memref<224x128xf32, #tpu.memory_space<hbm>>
      %dma_start3A_707 = arith.constant 0 : i32
      %dma_start3A_708 = tpu.memref_slice %arg5[%min3A_696, %dma_start3A_707] : memref<447x128xf32, #tpu.memory_space<vmem>> -> memref<224x128xf32, #tpu.memory_space<vmem>>
      tpu.enqueue_dma source(%dma_start3A_708 : memref<224x128xf32, #tpu.memory_space<vmem>>) target(%dma_start3A_706 : memref<224x128xf32, #tpu.memory_space<hbm>>) target_semaphore(%arg7 : memref<!tpu.dma_semaphore, #tpu.memory_space<semaphore_mem>>)
      %add3A_709 = arith.constant 12 : i32
      %add3A_710 = arith.addi %add3A_13, %add3A_709 : i32
      %jit3A_711 = arith.constant 224 : i32
      %div3A_712 = arith.divsi %add3A_710, %jit3A_711 : i32
      %sign3A_713 = arith.constant 0 : i32
      %sign3A_714 = arith.cmpi sgt, %add3A_710, %sign3A_713 : i32
      %sign3A_715 = arith.extui %sign3A_714 : i1 to i32
      %sign3A_716 = arith.constant 0 : i32
      %sign3A_717 = arith.cmpi slt, %add3A_710, %sign3A_716 : i32
      %sign3A_718 = arith.extui %sign3A_717 : i1 to i32
      %sign3A_719 = arith.subi %sign3A_715, %sign3A_718 : i32
      %sign3A_720 = arith.constant 0 : i32
      %sign3A_721 = arith.cmpi sgt, %jit3A_711, %sign3A_720 : i32
      %sign3A_722 = arith.extui %sign3A_721 : i1 to i32
      %sign3A_723 = arith.constant 0 : i32
      %sign3A_724 = arith.cmpi slt, %jit3A_711, %sign3A_723 : i32
      %sign3A_725 = arith.extui %sign3A_724 : i1 to i32
      %sign3A_726 = arith.subi %sign3A_722, %sign3A_725 : i32
      %ne3A_727 = arith.cmpi ne, %sign3A_719, %sign3A_726 : i32
      %rem3A_728 = arith.remsi %add3A_710, %jit3A_711 : i32
      %ne3A_729 = arith.constant 0 : i32
      %ne3A_730 = arith.cmpi ne, %rem3A_728, %ne3A_729 : i32
      %and3A_731 = arith.andi %ne3A_727, %ne3A_730 : i1
      %sub3A_732 = arith.constant 1 : i32
      %sub3A_733 = arith.subi %div3A_712, %sub3A_732 : i32
      %select_n3A_734 = arith.select %and3A_731, %sub3A_733, %div3A_712 : i32
      %jit3A_735 = arith.constant 224 : i32
      %eq3A_736 = arith.constant 0 : i32
      %eq3A_737 = arith.cmpi eq, %jit3A_735, %eq3A_736 : i32
      %jit3A_738 = arith.constant 1 : i32
      %select_n3A_739 = arith.select %eq3A_737, %jit3A_738, %jit3A_735 : i32
      %rem3A_740 = arith.remsi %add3A_710, %select_n3A_739 : i32
      %ne3A_741 = arith.constant 0 : i32
      %ne3A_742 = arith.cmpi ne, %rem3A_740, %ne3A_741 : i32
      %lt3A_743 = arith.constant 0 : i32
      %lt3A_744 = arith.cmpi slt, %rem3A_740, %lt3A_743 : i32
      %lt3A_745 = arith.constant 0 : i32
      %lt3A_746 = arith.cmpi slt, %select_n3A_739, %lt3A_745 : i32
      %ne3A_747 = arith.xori %lt3A_744, %lt3A_746 : i1
      %and3A_748 = arith.andi %ne3A_747, %ne3A_742 : i1
      %add3A_749 = arith.addi %rem3A_740, %select_n3A_739 : i32
      %select_n3A_750 = arith.select %and3A_748, %add3A_749, %rem3A_740 : i32
      %add3A_751 = arith.addi %select_n3A_750, %squeeze3A : i32
      %jit3A_752 = arith.constant 0 : i32
      %jit3A_753 = arith.constant 223 : i32
      %max3A_754 = arith.maxsi %jit3A_752, %add3A_751 : i32
      %min3A_755 = arith.minsi %jit3A_753, %max3A_754 : i32
      %mul3A_756 = arith.constant 224 : i32
      %mul3A_757 = arith.muli %select_n3A_750, %mul3A_756 : i32
      %dma_start3A_758 = arith.constant 0 : i32
      %dma_start3A_759 = tpu.memref_slice %arg5[%min3A_755, %dma_start3A_758] : memref<447x128xf32, #tpu.memory_space<vmem>> -> memref<224x128xf32, #tpu.memory_space<vmem>>
      %dma_start3A_760 = arith.constant 0 : i32
      %dma_start3A_761 = tpu.memref_slice %arg4[%select_n3A_734, %mul3A_757, %dma_start3A_760] : memref<8x50176x128xf32, #tpu.memory_space<hbm>> -> memref<1x224x128xf32, #tpu.memory_space<hbm>>
      %dma_start3A_762 = tpu.memref_squeeze %dma_start3A_761 : memref<1x224x128xf32, #tpu.memory_space<hbm>> -> memref<224x128xf32, #tpu.memory_space<hbm>>
      %dma_start3A_763 = arith.constant 0 : i32
      %dma_start3A_764 = tpu.memref_slice %arg4[%select_n3A_734, %mul3A_757, %dma_start3A_763] : memref<8x50176x128xf32, #tpu.memory_space<hbm>> -> memref<1x224x128xf32, #tpu.memory_space<hbm>>
      %dma_start3A_765 = tpu.memref_squeeze %dma_start3A_764 : memref<1x224x128xf32, #tpu.memory_space<hbm>> -> memref<224x128xf32, #tpu.memory_space<hbm>>
      %dma_start3A_766 = arith.constant 0 : i32
      %dma_start3A_767 = tpu.memref_slice %arg5[%min3A_755, %dma_start3A_766] : memref<447x128xf32, #tpu.memory_space<vmem>> -> memref<224x128xf32, #tpu.memory_space<vmem>>
      tpu.enqueue_dma source(%dma_start3A_767 : memref<224x128xf32, #tpu.memory_space<vmem>>) target(%dma_start3A_765 : memref<224x128xf32, #tpu.memory_space<hbm>>) target_semaphore(%arg7 : memref<!tpu.dma_semaphore, #tpu.memory_space<semaphore_mem>>)
      %add3A_768 = arith.constant 13 : i32
      %add3A_769 = arith.addi %add3A_13, %add3A_768 : i32
      %jit3A_770 = arith.constant 224 : i32
      %div3A_771 = arith.divsi %add3A_769, %jit3A_770 : i32
      %sign3A_772 = arith.constant 0 : i32
      %sign3A_773 = arith.cmpi sgt, %add3A_769, %sign3A_772 : i32
      %sign3A_774 = arith.extui %sign3A_773 : i1 to i32
      %sign3A_775 = arith.constant 0 : i32
      %sign3A_776 = arith.cmpi slt, %add3A_769, %sign3A_775 : i32
      %sign3A_777 = arith.extui %sign3A_776 : i1 to i32
      %sign3A_778 = arith.subi %sign3A_774, %sign3A_777 : i32
      %sign3A_779 = arith.constant 0 : i32
      %sign3A_780 = arith.cmpi sgt, %jit3A_770, %sign3A_779 : i32
      %sign3A_781 = arith.extui %sign3A_780 : i1 to i32
      %sign3A_782 = arith.constant 0 : i32
      %sign3A_783 = arith.cmpi slt, %jit3A_770, %sign3A_782 : i32
      %sign3A_784 = arith.extui %sign3A_783 : i1 to i32
      %sign3A_785 = arith.subi %sign3A_781, %sign3A_784 : i32
      %ne3A_786 = arith.cmpi ne, %sign3A_778, %sign3A_785 : i32
      %rem3A_787 = arith.remsi %add3A_769, %jit3A_770 : i32
      %ne3A_788 = arith.constant 0 : i32
      %ne3A_789 = arith.cmpi ne, %rem3A_787, %ne3A_788 : i32
      %and3A_790 = arith.andi %ne3A_786, %ne3A_789 : i1
      %sub3A_791 = arith.constant 1 : i32
      %sub3A_792 = arith.subi %div3A_771, %sub3A_791 : i32
      %select_n3A_793 = arith.select %and3A_790, %sub3A_792, %div3A_771 : i32
      %jit3A_794 = arith.constant 224 : i32
      %eq3A_795 = arith.constant 0 : i32
      %eq3A_796 = arith.cmpi eq, %jit3A_794, %eq3A_795 : i32
      %jit3A_797 = arith.constant 1 : i32
      %select_n3A_798 = arith.select %eq3A_796, %jit3A_797, %jit3A_794 : i32
      %rem3A_799 = arith.remsi %add3A_769, %select_n3A_798 : i32
      %ne3A_800 = arith.constant 0 : i32
      %ne3A_801 = arith.cmpi ne, %rem3A_799, %ne3A_800 : i32
      %lt3A_802 = arith.constant 0 : i32
      %lt3A_803 = arith.cmpi slt, %rem3A_799, %lt3A_802 : i32
      %lt3A_804 = arith.constant 0 : i32
      %lt3A_805 = arith.cmpi slt, %select_n3A_798, %lt3A_804 : i32
      %ne3A_806 = arith.xori %lt3A_803, %lt3A_805 : i1
      %and3A_807 = arith.andi %ne3A_806, %ne3A_801 : i1
      %add3A_808 = arith.addi %rem3A_799, %select_n3A_798 : i32
      %select_n3A_809 = arith.select %and3A_807, %add3A_808, %rem3A_799 : i32
      %add3A_810 = arith.addi %select_n3A_809, %squeeze3A : i32
      %jit3A_811 = arith.constant 0 : i32
      %jit3A_812 = arith.constant 223 : i32
      %max3A_813 = arith.maxsi %jit3A_811, %add3A_810 : i32
      %min3A_814 = arith.minsi %jit3A_812, %max3A_813 : i32
      %mul3A_815 = arith.constant 224 : i32
      %mul3A_816 = arith.muli %select_n3A_809, %mul3A_815 : i32
      %dma_start3A_817 = arith.constant 0 : i32
      %dma_start3A_818 = tpu.memref_slice %arg5[%min3A_814, %dma_start3A_817] : memref<447x128xf32, #tpu.memory_space<vmem>> -> memref<224x128xf32, #tpu.memory_space<vmem>>
      %dma_start3A_819 = arith.constant 0 : i32
      %dma_start3A_820 = tpu.memref_slice %arg4[%select_n3A_793, %mul3A_816, %dma_start3A_819] : memref<8x50176x128xf32, #tpu.memory_space<hbm>> -> memref<1x224x128xf32, #tpu.memory_space<hbm>>
      %dma_start3A_821 = tpu.memref_squeeze %dma_start3A_820 : memref<1x224x128xf32, #tpu.memory_space<hbm>> -> memref<224x128xf32, #tpu.memory_space<hbm>>
      %dma_start3A_822 = arith.constant 0 : i32
      %dma_start3A_823 = tpu.memref_slice %arg4[%select_n3A_793, %mul3A_816, %dma_start3A_822] : memref<8x50176x128xf32, #tpu.memory_space<hbm>> -> memref<1x224x128xf32, #tpu.memory_space<hbm>>
      %dma_start3A_824 = tpu.memref_squeeze %dma_start3A_823 : memref<1x224x128xf32, #tpu.memory_space<hbm>> -> memref<224x128xf32, #tpu.memory_space<hbm>>
      %dma_start3A_825 = arith.constant 0 : i32
      %dma_start3A_826 = tpu.memref_slice %arg5[%min3A_814, %dma_start3A_825] : memref<447x128xf32, #tpu.memory_space<vmem>> -> memref<224x128xf32, #tpu.memory_space<vmem>>
      tpu.enqueue_dma source(%dma_start3A_826 : memref<224x128xf32, #tpu.memory_space<vmem>>) target(%dma_start3A_824 : memref<224x128xf32, #tpu.memory_space<hbm>>) target_semaphore(%arg7 : memref<!tpu.dma_semaphore, #tpu.memory_space<semaphore_mem>>)
      %add3A_827 = arith.constant 0 : i32
      %add3A_828 = arith.addi %add3A_13, %add3A_827 : i32
      %jit3A_829 = arith.constant 224 : i32
      %div3A_830 = arith.divsi %add3A_828, %jit3A_829 : i32
      %sign3A_831 = arith.constant 0 : i32
      %sign3A_832 = arith.cmpi sgt, %add3A_828, %sign3A_831 : i32
      %sign3A_833 = arith.extui %sign3A_832 : i1 to i32
      %sign3A_834 = arith.constant 0 : i32
      %sign3A_835 = arith.cmpi slt, %add3A_828, %sign3A_834 : i32
      %sign3A_836 = arith.extui %sign3A_835 : i1 to i32
      %sign3A_837 = arith.subi %sign3A_833, %sign3A_836 : i32
      %sign3A_838 = arith.constant 0 : i32
      %sign3A_839 = arith.cmpi sgt, %jit3A_829, %sign3A_838 : i32
      %sign3A_840 = arith.extui %sign3A_839 : i1 to i32
      %sign3A_841 = arith.constant 0 : i32
      %sign3A_842 = arith.cmpi slt, %jit3A_829, %sign3A_841 : i32
      %sign3A_843 = arith.extui %sign3A_842 : i1 to i32
      %sign3A_844 = arith.subi %sign3A_840, %sign3A_843 : i32
      %ne3A_845 = arith.cmpi ne, %sign3A_837, %sign3A_844 : i32
      %rem3A_846 = arith.remsi %add3A_828, %jit3A_829 : i32
      %ne3A_847 = arith.constant 0 : i32
      %ne3A_848 = arith.cmpi ne, %rem3A_846, %ne3A_847 : i32
      %and3A_849 = arith.andi %ne3A_845, %ne3A_848 : i1
      %sub3A_850 = arith.constant 1 : i32
      %sub3A_851 = arith.subi %div3A_830, %sub3A_850 : i32
      %select_n3A_852 = arith.select %and3A_849, %sub3A_851, %div3A_830 : i32
      %jit3A_853 = arith.constant 224 : i32
      %eq3A_854 = arith.constant 0 : i32
      %eq3A_855 = arith.cmpi eq, %jit3A_853, %eq3A_854 : i32
      %jit3A_856 = arith.constant 1 : i32
      %select_n3A_857 = arith.select %eq3A_855, %jit3A_856, %jit3A_853 : i32
      %rem3A_858 = arith.remsi %add3A_828, %select_n3A_857 : i32
      %ne3A_859 = arith.constant 0 : i32
      %ne3A_860 = arith.cmpi ne, %rem3A_858, %ne3A_859 : i32
      %lt3A_861 = arith.constant 0 : i32
      %lt3A_862 = arith.cmpi slt, %rem3A_858, %lt3A_861 : i32
      %lt3A_863 = arith.constant 0 : i32
      %lt3A_864 = arith.cmpi slt, %select_n3A_857, %lt3A_863 : i32
      %ne3A_865 = arith.xori %lt3A_862, %lt3A_864 : i1
      %and3A_866 = arith.andi %ne3A_865, %ne3A_860 : i1
      %add3A_867 = arith.addi %rem3A_858, %select_n3A_857 : i32
      %select_n3A_868 = arith.select %and3A_866, %add3A_867, %rem3A_858 : i32
      %add3A_869 = arith.addi %select_n3A_868, %squeeze3A : i32
      %jit3A_870 = arith.constant 0 : i32
      %jit3A_871 = arith.constant 223 : i32
      %max3A_872 = arith.maxsi %jit3A_870, %add3A_869 : i32
      %min3A_873 = arith.minsi %jit3A_871, %max3A_872 : i32
      %mul3A_874 = arith.constant 224 : i32
      %mul3A_875 = arith.muli %select_n3A_868, %mul3A_874 : i32
      %dma_wait3A = arith.constant 0 : i32
      %dma_wait3A_876 = tpu.memref_slice %arg5[%min3A_873, %dma_wait3A] : memref<447x128xf32, #tpu.memory_space<vmem>> -> memref<224x128xf32, #tpu.memory_space<vmem>>
      %dma_wait3A_877 = arith.constant 0 : i32
      %dma_wait3A_878 = tpu.memref_slice %arg4[%select_n3A_852, %mul3A_875, %dma_wait3A_877] : memref<8x50176x128xf32, #tpu.memory_space<hbm>> -> memref<1x224x128xf32, #tpu.memory_space<hbm>>
      %dma_wait3A_879 = tpu.memref_squeeze %dma_wait3A_878 : memref<1x224x128xf32, #tpu.memory_space<hbm>> -> memref<224x128xf32, #tpu.memory_space<hbm>>
      %dma_wait3A_880 = arith.constant 0 : i32
      %dma_wait3A_881 = tpu.memref_slice %arg4[%select_n3A_852, %mul3A_875, %dma_wait3A_880] : memref<8x50176x128xf32, #tpu.memory_space<hbm>> -> memref<1x224x128xf32, #tpu.memory_space<hbm>>
      %dma_wait3A_882 = tpu.memref_squeeze %dma_wait3A_881 : memref<1x224x128xf32, #tpu.memory_space<hbm>> -> memref<224x128xf32, #tpu.memory_space<hbm>>
      %dma_wait3A_883 = arith.constant 0 : i32
      %dma_wait3A_884 = tpu.memref_slice %arg5[%min3A_873, %dma_wait3A_883] : memref<447x128xf32, #tpu.memory_space<vmem>> -> memref<224x128xf32, #tpu.memory_space<vmem>>
      tpu.wait_dma2 semaphore(%arg7 : memref<!tpu.dma_semaphore, #tpu.memory_space<semaphore_mem>>) src(%dma_wait3A_884 : memref<224x128xf32, #tpu.memory_space<vmem>>) dst(%dma_wait3A_882 : memref<224x128xf32, #tpu.memory_space<hbm>>)
      %add3A_885 = arith.constant 1 : i32
      %add3A_886 = arith.addi %add3A_13, %add3A_885 : i32
      %jit3A_887 = arith.constant 224 : i32
      %div3A_888 = arith.divsi %add3A_886, %jit3A_887 : i32
      %sign3A_889 = arith.constant 0 : i32
      %sign3A_890 = arith.cmpi sgt, %add3A_886, %sign3A_889 : i32
      %sign3A_891 = arith.extui %sign3A_890 : i1 to i32
      %sign3A_892 = arith.constant 0 : i32
      %sign3A_893 = arith.cmpi slt, %add3A_886, %sign3A_892 : i32
      %sign3A_894 = arith.extui %sign3A_893 : i1 to i32
      %sign3A_895 = arith.subi %sign3A_891, %sign3A_894 : i32
      %sign3A_896 = arith.constant 0 : i32
      %sign3A_897 = arith.cmpi sgt, %jit3A_887, %sign3A_896 : i32
      %sign3A_898 = arith.extui %sign3A_897 : i1 to i32
      %sign3A_899 = arith.constant 0 : i32
      %sign3A_900 = arith.cmpi slt, %jit3A_887, %sign3A_899 : i32
      %sign3A_901 = arith.extui %sign3A_900 : i1 to i32
      %sign3A_902 = arith.subi %sign3A_898, %sign3A_901 : i32
      %ne3A_903 = arith.cmpi ne, %sign3A_895, %sign3A_902 : i32
      %rem3A_904 = arith.remsi %add3A_886, %jit3A_887 : i32
      %ne3A_905 = arith.constant 0 : i32
      %ne3A_906 = arith.cmpi ne, %rem3A_904, %ne3A_905 : i32
      %and3A_907 = arith.andi %ne3A_903, %ne3A_906 : i1
      %sub3A_908 = arith.constant 1 : i32
      %sub3A_909 = arith.subi %div3A_888, %sub3A_908 : i32
      %select_n3A_910 = arith.select %and3A_907, %sub3A_909, %div3A_888 : i32
      %jit3A_911 = arith.constant 224 : i32
      %eq3A_912 = arith.constant 0 : i32
      %eq3A_913 = arith.cmpi eq, %jit3A_911, %eq3A_912 : i32
      %jit3A_914 = arith.constant 1 : i32
      %select_n3A_915 = arith.select %eq3A_913, %jit3A_914, %jit3A_911 : i32
      %rem3A_916 = arith.remsi %add3A_886, %select_n3A_915 : i32
      %ne3A_917 = arith.constant 0 : i32
      %ne3A_918 = arith.cmpi ne, %rem3A_916, %ne3A_917 : i32
      %lt3A_919 = arith.constant 0 : i32
      %lt3A_920 = arith.cmpi slt, %rem3A_916, %lt3A_919 : i32
      %lt3A_921 = arith.constant 0 : i32
      %lt3A_922 = arith.cmpi slt, %select_n3A_915, %lt3A_921 : i32
      %ne3A_923 = arith.xori %lt3A_920, %lt3A_922 : i1
      %and3A_924 = arith.andi %ne3A_923, %ne3A_918 : i1
      %add3A_925 = arith.addi %rem3A_916, %select_n3A_915 : i32
      %select_n3A_926 = arith.select %and3A_924, %add3A_925, %rem3A_916 : i32
      %add3A_927 = arith.addi %select_n3A_926, %squeeze3A : i32
      %jit3A_928 = arith.constant 0 : i32
      %jit3A_929 = arith.constant 223 : i32
      %max3A_930 = arith.maxsi %jit3A_928, %add3A_927 : i32
      %min3A_931 = arith.minsi %jit3A_929, %max3A_930 : i32
      %mul3A_932 = arith.constant 224 : i32
      %mul3A_933 = arith.muli %select_n3A_926, %mul3A_932 : i32
      %dma_wait3A_934 = arith.constant 0 : i32
      %dma_wait3A_935 = tpu.memref_slice %arg5[%min3A_931, %dma_wait3A_934] : memref<447x128xf32, #tpu.memory_space<vmem>> -> memref<224x128xf32, #tpu.memory_space<vmem>>
      %dma_wait3A_936 = arith.constant 0 : i32
      %dma_wait3A_937 = tpu.memref_slice %arg4[%select_n3A_910, %mul3A_933, %dma_wait3A_936] : memref<8x50176x128xf32, #tpu.memory_space<hbm>> -> memref<1x224x128xf32, #tpu.memory_space<hbm>>
      %dma_wait3A_938 = tpu.memref_squeeze %dma_wait3A_937 : memref<1x224x128xf32, #tpu.memory_space<hbm>> -> memref<224x128xf32, #tpu.memory_space<hbm>>
      %dma_wait3A_939 = arith.constant 0 : i32
      %dma_wait3A_940 = tpu.memref_slice %arg4[%select_n3A_910, %mul3A_933, %dma_wait3A_939] : memref<8x50176x128xf32, #tpu.memory_space<hbm>> -> memref<1x224x128xf32, #tpu.memory_space<hbm>>
      %dma_wait3A_941 = tpu.memref_squeeze %dma_wait3A_940 : memref<1x224x128xf32, #tpu.memory_space<hbm>> -> memref<224x128xf32, #tpu.memory_space<hbm>>
      %dma_wait3A_942 = arith.constant 0 : i32
      %dma_wait3A_943 = tpu.memref_slice %arg5[%min3A_931, %dma_wait3A_942] : memref<447x128xf32, #tpu.memory_space<vmem>> -> memref<224x128xf32, #tpu.memory_space<vmem>>
      tpu.wait_dma2 semaphore(%arg7 : memref<!tpu.dma_semaphore, #tpu.memory_space<semaphore_mem>>) src(%dma_wait3A_943 : memref<224x128xf32, #tpu.memory_space<vmem>>) dst(%dma_wait3A_941 : memref<224x128xf32, #tpu.memory_space<hbm>>)
      %add3A_944 = arith.constant 2 : i32
      %add3A_945 = arith.addi %add3A_13, %add3A_944 : i32
      %jit3A_946 = arith.constant 224 : i32
      %div3A_947 = arith.divsi %add3A_945, %jit3A_946 : i32
      %sign3A_948 = arith.constant 0 : i32
      %sign3A_949 = arith.cmpi sgt, %add3A_945, %sign3A_948 : i32
      %sign3A_950 = arith.extui %sign3A_949 : i1 to i32
      %sign3A_951 = arith.constant 0 : i32
      %sign3A_952 = arith.cmpi slt, %add3A_945, %sign3A_951 : i32
      %sign3A_953 = arith.extui %sign3A_952 : i1 to i32
      %sign3A_954 = arith.subi %sign3A_950, %sign3A_953 : i32
      %sign3A_955 = arith.constant 0 : i32
      %sign3A_956 = arith.cmpi sgt, %jit3A_946, %sign3A_955 : i32
      %sign3A_957 = arith.extui %sign3A_956 : i1 to i32
      %sign3A_958 = arith.constant 0 : i32
      %sign3A_959 = arith.cmpi slt, %jit3A_946, %sign3A_958 : i32
      %sign3A_960 = arith.extui %sign3A_959 : i1 to i32
      %sign3A_961 = arith.subi %sign3A_957, %sign3A_960 : i32
      %ne3A_962 = arith.cmpi ne, %sign3A_954, %sign3A_961 : i32
      %rem3A_963 = arith.remsi %add3A_945, %jit3A_946 : i32
      %ne3A_964 = arith.constant 0 : i32
      %ne3A_965 = arith.cmpi ne, %rem3A_963, %ne3A_964 : i32
      %and3A_966 = arith.andi %ne3A_962, %ne3A_965 : i1
      %sub3A_967 = arith.constant 1 : i32
      %sub3A_968 = arith.subi %div3A_947, %sub3A_967 : i32
      %select_n3A_969 = arith.select %and3A_966, %sub3A_968, %div3A_947 : i32
      %jit3A_970 = arith.constant 224 : i32
      %eq3A_971 = arith.constant 0 : i32
      %eq3A_972 = arith.cmpi eq, %jit3A_970, %eq3A_971 : i32
      %jit3A_973 = arith.constant 1 : i32
      %select_n3A_974 = arith.select %eq3A_972, %jit3A_973, %jit3A_970 : i32
      %rem3A_975 = arith.remsi %add3A_945, %select_n3A_974 : i32
      %ne3A_976 = arith.constant 0 : i32
      %ne3A_977 = arith.cmpi ne, %rem3A_975, %ne3A_976 : i32
      %lt3A_978 = arith.constant 0 : i32
      %lt3A_979 = arith.cmpi slt, %rem3A_975, %lt3A_978 : i32
      %lt3A_980 = arith.constant 0 : i32
      %lt3A_981 = arith.cmpi slt, %select_n3A_974, %lt3A_980 : i32
      %ne3A_982 = arith.xori %lt3A_979, %lt3A_981 : i1
      %and3A_983 = arith.andi %ne3A_982, %ne3A_977 : i1
      %add3A_984 = arith.addi %rem3A_975, %select_n3A_974 : i32
      %select_n3A_985 = arith.select %and3A_983, %add3A_984, %rem3A_975 : i32
      %add3A_986 = arith.addi %select_n3A_985, %squeeze3A : i32
      %jit3A_987 = arith.constant 0 : i32
      %jit3A_988 = arith.constant 223 : i32
      %max3A_989 = arith.maxsi %jit3A_987, %add3A_986 : i32
      %min3A_990 = arith.minsi %jit3A_988, %max3A_989 : i32
      %mul3A_991 = arith.constant 224 : i32
      %mul3A_992 = arith.muli %select_n3A_985, %mul3A_991 : i32
      %dma_wait3A_993 = arith.constant 0 : i32
      %dma_wait3A_994 = tpu.memref_slice %arg5[%min3A_990, %dma_wait3A_993] : memref<447x128xf32, #tpu.memory_space<vmem>> -> memref<224x128xf32, #tpu.memory_space<vmem>>
      %dma_wait3A_995 = arith.constant 0 : i32
      %dma_wait3A_996 = tpu.memref_slice %arg4[%select_n3A_969, %mul3A_992, %dma_wait3A_995] : memref<8x50176x128xf32, #tpu.memory_space<hbm>> -> memref<1x224x128xf32, #tpu.memory_space<hbm>>
      %dma_wait3A_997 = tpu.memref_squeeze %dma_wait3A_996 : memref<1x224x128xf32, #tpu.memory_space<hbm>> -> memref<224x128xf32, #tpu.memory_space<hbm>>
      %dma_wait3A_998 = arith.constant 0 : i32
      %dma_wait3A_999 = tpu.memref_slice %arg4[%select_n3A_969, %mul3A_992, %dma_wait3A_998] : memref<8x50176x128xf32, #tpu.memory_space<hbm>> -> memref<1x224x128xf32, #tpu.memory_space<hbm>>
      %dma_wait3A_1000 = tpu.memref_squeeze %dma_wait3A_999 : memref<1x224x128xf32, #tpu.memory_space<hbm>> -> memref<224x128xf32, #tpu.memory_space<hbm>>
      %dma_wait3A_1001 = arith.constant 0 : i32
      %dma_wait3A_1002 = tpu.memref_slice %arg5[%min3A_990, %dma_wait3A_1001] : memref<447x128xf32, #tpu.memory_space<vmem>> -> memref<224x128xf32, #tpu.memory_space<vmem>>
      tpu.wait_dma2 semaphore(%arg7 : memref<!tpu.dma_semaphore, #tpu.memory_space<semaphore_mem>>) src(%dma_wait3A_1002 : memref<224x128xf32, #tpu.memory_space<vmem>>) dst(%dma_wait3A_1000 : memref<224x128xf32, #tpu.memory_space<hbm>>)
      %add3A_1003 = arith.constant 3 : i32
      %add3A_1004 = arith.addi %add3A_13, %add3A_1003 : i32
      %jit3A_1005 = arith.constant 224 : i32
      %div3A_1006 = arith.divsi %add3A_1004, %jit3A_1005 : i32
      %sign3A_1007 = arith.constant 0 : i32
      %sign3A_1008 = arith.cmpi sgt, %add3A_1004, %sign3A_1007 : i32
      %sign3A_1009 = arith.extui %sign3A_1008 : i1 to i32
      %sign3A_1010 = arith.constant 0 : i32
      %sign3A_1011 = arith.cmpi slt, %add3A_1004, %sign3A_1010 : i32
      %sign3A_1012 = arith.extui %sign3A_1011 : i1 to i32
      %sign3A_1013 = arith.subi %sign3A_1009, %sign3A_1012 : i32
      %sign3A_1014 = arith.constant 0 : i32
      %sign3A_1015 = arith.cmpi sgt, %jit3A_1005, %sign3A_1014 : i32
      %sign3A_1016 = arith.extui %sign3A_1015 : i1 to i32
      %sign3A_1017 = arith.constant 0 : i32
      %sign3A_1018 = arith.cmpi slt, %jit3A_1005, %sign3A_1017 : i32
      %sign3A_1019 = arith.extui %sign3A_1018 : i1 to i32
      %sign3A_1020 = arith.subi %sign3A_1016, %sign3A_1019 : i32
      %ne3A_1021 = arith.cmpi ne, %sign3A_1013, %sign3A_1020 : i32
      %rem3A_1022 = arith.remsi %add3A_1004, %jit3A_1005 : i32
      %ne3A_1023 = arith.constant 0 : i32
      %ne3A_1024 = arith.cmpi ne, %rem3A_1022, %ne3A_1023 : i32
      %and3A_1025 = arith.andi %ne3A_1021, %ne3A_1024 : i1
      %sub3A_1026 = arith.constant 1 : i32
      %sub3A_1027 = arith.subi %div3A_1006, %sub3A_1026 : i32
      %select_n3A_1028 = arith.select %and3A_1025, %sub3A_1027, %div3A_1006 : i32
      %jit3A_1029 = arith.constant 224 : i32
      %eq3A_1030 = arith.constant 0 : i32
      %eq3A_1031 = arith.cmpi eq, %jit3A_1029, %eq3A_1030 : i32
      %jit3A_1032 = arith.constant 1 : i32
      %select_n3A_1033 = arith.select %eq3A_1031, %jit3A_1032, %jit3A_1029 : i32
      %rem3A_1034 = arith.remsi %add3A_1004, %select_n3A_1033 : i32
      %ne3A_1035 = arith.constant 0 : i32
      %ne3A_1036 = arith.cmpi ne, %rem3A_1034, %ne3A_1035 : i32
      %lt3A_1037 = arith.constant 0 : i32
      %lt3A_1038 = arith.cmpi slt, %rem3A_1034, %lt3A_1037 : i32
      %lt3A_1039 = arith.constant 0 : i32
      %lt3A_1040 = arith.cmpi slt, %select_n3A_1033, %lt3A_1039 : i32
      %ne3A_1041 = arith.xori %lt3A_1038, %lt3A_1040 : i1
      %and3A_1042 = arith.andi %ne3A_1041, %ne3A_1036 : i1
      %add3A_1043 = arith.addi %rem3A_1034, %select_n3A_1033 : i32
      %select_n3A_1044 = arith.select %and3A_1042, %add3A_1043, %rem3A_1034 : i32
      %add3A_1045 = arith.addi %select_n3A_1044, %squeeze3A : i32
      %jit3A_1046 = arith.constant 0 : i32
      %jit3A_1047 = arith.constant 223 : i32
      %max3A_1048 = arith.maxsi %jit3A_1046, %add3A_1045 : i32
      %min3A_1049 = arith.minsi %jit3A_1047, %max3A_1048 : i32
      %mul3A_1050 = arith.constant 224 : i32
      %mul3A_1051 = arith.muli %select_n3A_1044, %mul3A_1050 : i32
      %dma_wait3A_1052 = arith.constant 0 : i32
      %dma_wait3A_1053 = tpu.memref_slice %arg5[%min3A_1049, %dma_wait3A_1052] : memref<447x128xf32, #tpu.memory_space<vmem>> -> memref<224x128xf32, #tpu.memory_space<vmem>>
      %dma_wait3A_1054 = arith.constant 0 : i32
      %dma_wait3A_1055 = tpu.memref_slice %arg4[%select_n3A_1028, %mul3A_1051, %dma_wait3A_1054] : memref<8x50176x128xf32, #tpu.memory_space<hbm>> -> memref<1x224x128xf32, #tpu.memory_space<hbm>>
      %dma_wait3A_1056 = tpu.memref_squeeze %dma_wait3A_1055 : memref<1x224x128xf32, #tpu.memory_space<hbm>> -> memref<224x128xf32, #tpu.memory_space<hbm>>
      %dma_wait3A_1057 = arith.constant 0 : i32
      %dma_wait3A_1058 = tpu.memref_slice %arg4[%select_n3A_1028, %mul3A_1051, %dma_wait3A_1057] : memref<8x50176x128xf32, #tpu.memory_space<hbm>> -> memref<1x224x128xf32, #tpu.memory_space<hbm>>
      %dma_wait3A_1059 = tpu.memref_squeeze %dma_wait3A_1058 : memref<1x224x128xf32, #tpu.memory_space<hbm>> -> memref<224x128xf32, #tpu.memory_space<hbm>>
      %dma_wait3A_1060 = arith.constant 0 : i32
      %dma_wait3A_1061 = tpu.memref_slice %arg5[%min3A_1049, %dma_wait3A_1060] : memref<447x128xf32, #tpu.memory_space<vmem>> -> memref<224x128xf32, #tpu.memory_space<vmem>>
      tpu.wait_dma2 semaphore(%arg7 : memref<!tpu.dma_semaphore, #tpu.memory_space<semaphore_mem>>) src(%dma_wait3A_1061 : memref<224x128xf32, #tpu.memory_space<vmem>>) dst(%dma_wait3A_1059 : memref<224x128xf32, #tpu.memory_space<hbm>>)
      %add3A_1062 = arith.constant 4 : i32
      %add3A_1063 = arith.addi %add3A_13, %add3A_1062 : i32
      %jit3A_1064 = arith.constant 224 : i32
      %div3A_1065 = arith.divsi %add3A_1063, %jit3A_1064 : i32
      %sign3A_1066 = arith.constant 0 : i32
      %sign3A_1067 = arith.cmpi sgt, %add3A_1063, %sign3A_1066 : i32
      %sign3A_1068 = arith.extui %sign3A_1067 : i1 to i32
      %sign3A_1069 = arith.constant 0 : i32
      %sign3A_1070 = arith.cmpi slt, %add3A_1063, %sign3A_1069 : i32
      %sign3A_1071 = arith.extui %sign3A_1070 : i1 to i32
      %sign3A_1072 = arith.subi %sign3A_1068, %sign3A_1071 : i32
      %sign3A_1073 = arith.constant 0 : i32
      %sign3A_1074 = arith.cmpi sgt, %jit3A_1064, %sign3A_1073 : i32
      %sign3A_1075 = arith.extui %sign3A_1074 : i1 to i32
      %sign3A_1076 = arith.constant 0 : i32
      %sign3A_1077 = arith.cmpi slt, %jit3A_1064, %sign3A_1076 : i32
      %sign3A_1078 = arith.extui %sign3A_1077 : i1 to i32
      %sign3A_1079 = arith.subi %sign3A_1075, %sign3A_1078 : i32
      %ne3A_1080 = arith.cmpi ne, %sign3A_1072, %sign3A_1079 : i32
      %rem3A_1081 = arith.remsi %add3A_1063, %jit3A_1064 : i32
      %ne3A_1082 = arith.constant 0 : i32
      %ne3A_1083 = arith.cmpi ne, %rem3A_1081, %ne3A_1082 : i32
      %and3A_1084 = arith.andi %ne3A_1080, %ne3A_1083 : i1
      %sub3A_1085 = arith.constant 1 : i32
      %sub3A_1086 = arith.subi %div3A_1065, %sub3A_1085 : i32
      %select_n3A_1087 = arith.select %and3A_1084, %sub3A_1086, %div3A_1065 : i32
      %jit3A_1088 = arith.constant 224 : i32
      %eq3A_1089 = arith.constant 0 : i32
      %eq3A_1090 = arith.cmpi eq, %jit3A_1088, %eq3A_1089 : i32
      %jit3A_1091 = arith.constant 1 : i32
      %select_n3A_1092 = arith.select %eq3A_1090, %jit3A_1091, %jit3A_1088 : i32
      %rem3A_1093 = arith.remsi %add3A_1063, %select_n3A_1092 : i32
      %ne3A_1094 = arith.constant 0 : i32
      %ne3A_1095 = arith.cmpi ne, %rem3A_1093, %ne3A_1094 : i32
      %lt3A_1096 = arith.constant 0 : i32
      %lt3A_1097 = arith.cmpi slt, %rem3A_1093, %lt3A_1096 : i32
      %lt3A_1098 = arith.constant 0 : i32
      %lt3A_1099 = arith.cmpi slt, %select_n3A_1092, %lt3A_1098 : i32
      %ne3A_1100 = arith.xori %lt3A_1097, %lt3A_1099 : i1
      %and3A_1101 = arith.andi %ne3A_1100, %ne3A_1095 : i1
      %add3A_1102 = arith.addi %rem3A_1093, %select_n3A_1092 : i32
      %select_n3A_1103 = arith.select %and3A_1101, %add3A_1102, %rem3A_1093 : i32
      %add3A_1104 = arith.addi %select_n3A_1103, %squeeze3A : i32
      %jit3A_1105 = arith.constant 0 : i32
      %jit3A_1106 = arith.constant 223 : i32
      %max3A_1107 = arith.maxsi %jit3A_1105, %add3A_1104 : i32
      %min3A_1108 = arith.minsi %jit3A_1106, %max3A_1107 : i32
      %mul3A_1109 = arith.constant 224 : i32
      %mul3A_1110 = arith.muli %select_n3A_1103, %mul3A_1109 : i32
      %dma_wait3A_1111 = arith.constant 0 : i32
      %dma_wait3A_1112 = tpu.memref_slice %arg5[%min3A_1108, %dma_wait3A_1111] : memref<447x128xf32, #tpu.memory_space<vmem>> -> memref<224x128xf32, #tpu.memory_space<vmem>>
      %dma_wait3A_1113 = arith.constant 0 : i32
      %dma_wait3A_1114 = tpu.memref_slice %arg4[%select_n3A_1087, %mul3A_1110, %dma_wait3A_1113] : memref<8x50176x128xf32, #tpu.memory_space<hbm>> -> memref<1x224x128xf32, #tpu.memory_space<hbm>>
      %dma_wait3A_1115 = tpu.memref_squeeze %dma_wait3A_1114 : memref<1x224x128xf32, #tpu.memory_space<hbm>> -> memref<224x128xf32, #tpu.memory_space<hbm>>
      %dma_wait3A_1116 = arith.constant 0 : i32
      %dma_wait3A_1117 = tpu.memref_slice %arg4[%select_n3A_1087, %mul3A_1110, %dma_wait3A_1116] : memref<8x50176x128xf32, #tpu.memory_space<hbm>> -> memref<1x224x128xf32, #tpu.memory_space<hbm>>
      %dma_wait3A_1118 = tpu.memref_squeeze %dma_wait3A_1117 : memref<1x224x128xf32, #tpu.memory_space<hbm>> -> memref<224x128xf32, #tpu.memory_space<hbm>>
      %dma_wait3A_1119 = arith.constant 0 : i32
      %dma_wait3A_1120 = tpu.memref_slice %arg5[%min3A_1108, %dma_wait3A_1119] : memref<447x128xf32, #tpu.memory_space<vmem>> -> memref<224x128xf32, #tpu.memory_space<vmem>>
      tpu.wait_dma2 semaphore(%arg7 : memref<!tpu.dma_semaphore, #tpu.memory_space<semaphore_mem>>) src(%dma_wait3A_1120 : memref<224x128xf32, #tpu.memory_space<vmem>>) dst(%dma_wait3A_1118 : memref<224x128xf32, #tpu.memory_space<hbm>>)
      %add3A_1121 = arith.constant 5 : i32
      %add3A_1122 = arith.addi %add3A_13, %add3A_1121 : i32
      %jit3A_1123 = arith.constant 224 : i32
      %div3A_1124 = arith.divsi %add3A_1122, %jit3A_1123 : i32
      %sign3A_1125 = arith.constant 0 : i32
      %sign3A_1126 = arith.cmpi sgt, %add3A_1122, %sign3A_1125 : i32
      %sign3A_1127 = arith.extui %sign3A_1126 : i1 to i32
      %sign3A_1128 = arith.constant 0 : i32
      %sign3A_1129 = arith.cmpi slt, %add3A_1122, %sign3A_1128 : i32
      %sign3A_1130 = arith.extui %sign3A_1129 : i1 to i32
      %sign3A_1131 = arith.subi %sign3A_1127, %sign3A_1130 : i32
      %sign3A_1132 = arith.constant 0 : i32
      %sign3A_1133 = arith.cmpi sgt, %jit3A_1123, %sign3A_1132 : i32
      %sign3A_1134 = arith.extui %sign3A_1133 : i1 to i32
      %sign3A_1135 = arith.constant 0 : i32
      %sign3A_1136 = arith.cmpi slt, %jit3A_1123, %sign3A_1135 : i32
      %sign3A_1137 = arith.extui %sign3A_1136 : i1 to i32
      %sign3A_1138 = arith.subi %sign3A_1134, %sign3A_1137 : i32
      %ne3A_1139 = arith.cmpi ne, %sign3A_1131, %sign3A_1138 : i32
      %rem3A_1140 = arith.remsi %add3A_1122, %jit3A_1123 : i32
      %ne3A_1141 = arith.constant 0 : i32
      %ne3A_1142 = arith.cmpi ne, %rem3A_1140, %ne3A_1141 : i32
      %and3A_1143 = arith.andi %ne3A_1139, %ne3A_1142 : i1
      %sub3A_1144 = arith.constant 1 : i32
      %sub3A_1145 = arith.subi %div3A_1124, %sub3A_1144 : i32
      %select_n3A_1146 = arith.select %and3A_1143, %sub3A_1145, %div3A_1124 : i32
      %jit3A_1147 = arith.constant 224 : i32
      %eq3A_1148 = arith.constant 0 : i32
      %eq3A_1149 = arith.cmpi eq, %jit3A_1147, %eq3A_1148 : i32
      %jit3A_1150 = arith.constant 1 : i32
      %select_n3A_1151 = arith.select %eq3A_1149, %jit3A_1150, %jit3A_1147 : i32
      %rem3A_1152 = arith.remsi %add3A_1122, %select_n3A_1151 : i32
      %ne3A_1153 = arith.constant 0 : i32
      %ne3A_1154 = arith.cmpi ne, %rem3A_1152, %ne3A_1153 : i32
      %lt3A_1155 = arith.constant 0 : i32
      %lt3A_1156 = arith.cmpi slt, %rem3A_1152, %lt3A_1155 : i32
      %lt3A_1157 = arith.constant 0 : i32
      %lt3A_1158 = arith.cmpi slt, %select_n3A_1151, %lt3A_1157 : i32
      %ne3A_1159 = arith.xori %lt3A_1156, %lt3A_1158 : i1
      %and3A_1160 = arith.andi %ne3A_1159, %ne3A_1154 : i1
      %add3A_1161 = arith.addi %rem3A_1152, %select_n3A_1151 : i32
      %select_n3A_1162 = arith.select %and3A_1160, %add3A_1161, %rem3A_1152 : i32
      %add3A_1163 = arith.addi %select_n3A_1162, %squeeze3A : i32
      %jit3A_1164 = arith.constant 0 : i32
      %jit3A_1165 = arith.constant 223 : i32
      %max3A_1166 = arith.maxsi %jit3A_1164, %add3A_1163 : i32
      %min3A_1167 = arith.minsi %jit3A_1165, %max3A_1166 : i32
      %mul3A_1168 = arith.constant 224 : i32
      %mul3A_1169 = arith.muli %select_n3A_1162, %mul3A_1168 : i32
      %dma_wait3A_1170 = arith.constant 0 : i32
      %dma_wait3A_1171 = tpu.memref_slice %arg5[%min3A_1167, %dma_wait3A_1170] : memref<447x128xf32, #tpu.memory_space<vmem>> -> memref<224x128xf32, #tpu.memory_space<vmem>>
      %dma_wait3A_1172 = arith.constant 0 : i32
      %dma_wait3A_1173 = tpu.memref_slice %arg4[%select_n3A_1146, %mul3A_1169, %dma_wait3A_1172] : memref<8x50176x128xf32, #tpu.memory_space<hbm>> -> memref<1x224x128xf32, #tpu.memory_space<hbm>>
      %dma_wait3A_1174 = tpu.memref_squeeze %dma_wait3A_1173 : memref<1x224x128xf32, #tpu.memory_space<hbm>> -> memref<224x128xf32, #tpu.memory_space<hbm>>
      %dma_wait3A_1175 = arith.constant 0 : i32
      %dma_wait3A_1176 = tpu.memref_slice %arg4[%select_n3A_1146, %mul3A_1169, %dma_wait3A_1175] : memref<8x50176x128xf32, #tpu.memory_space<hbm>> -> memref<1x224x128xf32, #tpu.memory_space<hbm>>
      %dma_wait3A_1177 = tpu.memref_squeeze %dma_wait3A_1176 : memref<1x224x128xf32, #tpu.memory_space<hbm>> -> memref<224x128xf32, #tpu.memory_space<hbm>>
      %dma_wait3A_1178 = arith.constant 0 : i32
      %dma_wait3A_1179 = tpu.memref_slice %arg5[%min3A_1167, %dma_wait3A_1178] : memref<447x128xf32, #tpu.memory_space<vmem>> -> memref<224x128xf32, #tpu.memory_space<vmem>>
      tpu.wait_dma2 semaphore(%arg7 : memref<!tpu.dma_semaphore, #tpu.memory_space<semaphore_mem>>) src(%dma_wait3A_1179 : memref<224x128xf32, #tpu.memory_space<vmem>>) dst(%dma_wait3A_1177 : memref<224x128xf32, #tpu.memory_space<hbm>>)
      %add3A_1180 = arith.constant 6 : i32
      %add3A_1181 = arith.addi %add3A_13, %add3A_1180 : i32
      %jit3A_1182 = arith.constant 224 : i32
      %div3A_1183 = arith.divsi %add3A_1181, %jit3A_1182 : i32
      %sign3A_1184 = arith.constant 0 : i32
      %sign3A_1185 = arith.cmpi sgt, %add3A_1181, %sign3A_1184 : i32
      %sign3A_1186 = arith.extui %sign3A_1185 : i1 to i32
      %sign3A_1187 = arith.constant 0 : i32
      %sign3A_1188 = arith.cmpi slt, %add3A_1181, %sign3A_1187 : i32
      %sign3A_1189 = arith.extui %sign3A_1188 : i1 to i32
      %sign3A_1190 = arith.subi %sign3A_1186, %sign3A_1189 : i32
      %sign3A_1191 = arith.constant 0 : i32
      %sign3A_1192 = arith.cmpi sgt, %jit3A_1182, %sign3A_1191 : i32
      %sign3A_1193 = arith.extui %sign3A_1192 : i1 to i32
      %sign3A_1194 = arith.constant 0 : i32
      %sign3A_1195 = arith.cmpi slt, %jit3A_1182, %sign3A_1194 : i32
      %sign3A_1196 = arith.extui %sign3A_1195 : i1 to i32
      %sign3A_1197 = arith.subi %sign3A_1193, %sign3A_1196 : i32
      %ne3A_1198 = arith.cmpi ne, %sign3A_1190, %sign3A_1197 : i32
      %rem3A_1199 = arith.remsi %add3A_1181, %jit3A_1182 : i32
      %ne3A_1200 = arith.constant 0 : i32
      %ne3A_1201 = arith.cmpi ne, %rem3A_1199, %ne3A_1200 : i32
      %and3A_1202 = arith.andi %ne3A_1198, %ne3A_1201 : i1
      %sub3A_1203 = arith.constant 1 : i32
      %sub3A_1204 = arith.subi %div3A_1183, %sub3A_1203 : i32
      %select_n3A_1205 = arith.select %and3A_1202, %sub3A_1204, %div3A_1183 : i32
      %jit3A_1206 = arith.constant 224 : i32
      %eq3A_1207 = arith.constant 0 : i32
      %eq3A_1208 = arith.cmpi eq, %jit3A_1206, %eq3A_1207 : i32
      %jit3A_1209 = arith.constant 1 : i32
      %select_n3A_1210 = arith.select %eq3A_1208, %jit3A_1209, %jit3A_1206 : i32
      %rem3A_1211 = arith.remsi %add3A_1181, %select_n3A_1210 : i32
      %ne3A_1212 = arith.constant 0 : i32
      %ne3A_1213 = arith.cmpi ne, %rem3A_1211, %ne3A_1212 : i32
      %lt3A_1214 = arith.constant 0 : i32
      %lt3A_1215 = arith.cmpi slt, %rem3A_1211, %lt3A_1214 : i32
      %lt3A_1216 = arith.constant 0 : i32
      %lt3A_1217 = arith.cmpi slt, %select_n3A_1210, %lt3A_1216 : i32
      %ne3A_1218 = arith.xori %lt3A_1215, %lt3A_1217 : i1
      %and3A_1219 = arith.andi %ne3A_1218, %ne3A_1213 : i1
      %add3A_1220 = arith.addi %rem3A_1211, %select_n3A_1210 : i32
      %select_n3A_1221 = arith.select %and3A_1219, %add3A_1220, %rem3A_1211 : i32
      %add3A_1222 = arith.addi %select_n3A_1221, %squeeze3A : i32
      %jit3A_1223 = arith.constant 0 : i32
      %jit3A_1224 = arith.constant 223 : i32
      %max3A_1225 = arith.maxsi %jit3A_1223, %add3A_1222 : i32
      %min3A_1226 = arith.minsi %jit3A_1224, %max3A_1225 : i32
      %mul3A_1227 = arith.constant 224 : i32
      %mul3A_1228 = arith.muli %select_n3A_1221, %mul3A_1227 : i32
      %dma_wait3A_1229 = arith.constant 0 : i32
      %dma_wait3A_1230 = tpu.memref_slice %arg5[%min3A_1226, %dma_wait3A_1229] : memref<447x128xf32, #tpu.memory_space<vmem>> -> memref<224x128xf32, #tpu.memory_space<vmem>>
      %dma_wait3A_1231 = arith.constant 0 : i32
      %dma_wait3A_1232 = tpu.memref_slice %arg4[%select_n3A_1205, %mul3A_1228, %dma_wait3A_1231] : memref<8x50176x128xf32, #tpu.memory_space<hbm>> -> memref<1x224x128xf32, #tpu.memory_space<hbm>>
      %dma_wait3A_1233 = tpu.memref_squeeze %dma_wait3A_1232 : memref<1x224x128xf32, #tpu.memory_space<hbm>> -> memref<224x128xf32, #tpu.memory_space<hbm>>
      %dma_wait3A_1234 = arith.constant 0 : i32
      %dma_wait3A_1235 = tpu.memref_slice %arg4[%select_n3A_1205, %mul3A_1228, %dma_wait3A_1234] : memref<8x50176x128xf32, #tpu.memory_space<hbm>> -> memref<1x224x128xf32, #tpu.memory_space<hbm>>
      %dma_wait3A_1236 = tpu.memref_squeeze %dma_wait3A_1235 : memref<1x224x128xf32, #tpu.memory_space<hbm>> -> memref<224x128xf32, #tpu.memory_space<hbm>>
      %dma_wait3A_1237 = arith.constant 0 : i32
      %dma_wait3A_1238 = tpu.memref_slice %arg5[%min3A_1226, %dma_wait3A_1237] : memref<447x128xf32, #tpu.memory_space<vmem>> -> memref<224x128xf32, #tpu.memory_space<vmem>>
      tpu.wait_dma2 semaphore(%arg7 : memref<!tpu.dma_semaphore, #tpu.memory_space<semaphore_mem>>) src(%dma_wait3A_1238 : memref<224x128xf32, #tpu.memory_space<vmem>>) dst(%dma_wait3A_1236 : memref<224x128xf32, #tpu.memory_space<hbm>>)
      %add3A_1239 = arith.constant 7 : i32
      %add3A_1240 = arith.addi %add3A_13, %add3A_1239 : i32
      %jit3A_1241 = arith.constant 224 : i32
      %div3A_1242 = arith.divsi %add3A_1240, %jit3A_1241 : i32
      %sign3A_1243 = arith.constant 0 : i32
      %sign3A_1244 = arith.cmpi sgt, %add3A_1240, %sign3A_1243 : i32
      %sign3A_1245 = arith.extui %sign3A_1244 : i1 to i32
      %sign3A_1246 = arith.constant 0 : i32
      %sign3A_1247 = arith.cmpi slt, %add3A_1240, %sign3A_1246 : i32
      %sign3A_1248 = arith.extui %sign3A_1247 : i1 to i32
      %sign3A_1249 = arith.subi %sign3A_1245, %sign3A_1248 : i32
      %sign3A_1250 = arith.constant 0 : i32
      %sign3A_1251 = arith.cmpi sgt, %jit3A_1241, %sign3A_1250 : i32
      %sign3A_1252 = arith.extui %sign3A_1251 : i1 to i32
      %sign3A_1253 = arith.constant 0 : i32
      %sign3A_1254 = arith.cmpi slt, %jit3A_1241, %sign3A_1253 : i32
      %sign3A_1255 = arith.extui %sign3A_1254 : i1 to i32
      %sign3A_1256 = arith.subi %sign3A_1252, %sign3A_1255 : i32
      %ne3A_1257 = arith.cmpi ne, %sign3A_1249, %sign3A_1256 : i32
      %rem3A_1258 = arith.remsi %add3A_1240, %jit3A_1241 : i32
      %ne3A_1259 = arith.constant 0 : i32
      %ne3A_1260 = arith.cmpi ne, %rem3A_1258, %ne3A_1259 : i32
      %and3A_1261 = arith.andi %ne3A_1257, %ne3A_1260 : i1
      %sub3A_1262 = arith.constant 1 : i32
      %sub3A_1263 = arith.subi %div3A_1242, %sub3A_1262 : i32
      %select_n3A_1264 = arith.select %and3A_1261, %sub3A_1263, %div3A_1242 : i32
      %jit3A_1265 = arith.constant 224 : i32
      %eq3A_1266 = arith.constant 0 : i32
      %eq3A_1267 = arith.cmpi eq, %jit3A_1265, %eq3A_1266 : i32
      %jit3A_1268 = arith.constant 1 : i32
      %select_n3A_1269 = arith.select %eq3A_1267, %jit3A_1268, %jit3A_1265 : i32
      %rem3A_1270 = arith.remsi %add3A_1240, %select_n3A_1269 : i32
      %ne3A_1271 = arith.constant 0 : i32
      %ne3A_1272 = arith.cmpi ne, %rem3A_1270, %ne3A_1271 : i32
      %lt3A_1273 = arith.constant 0 : i32
      %lt3A_1274 = arith.cmpi slt, %rem3A_1270, %lt3A_1273 : i32
      %lt3A_1275 = arith.constant 0 : i32
      %lt3A_1276 = arith.cmpi slt, %select_n3A_1269, %lt3A_1275 : i32
      %ne3A_1277 = arith.xori %lt3A_1274, %lt3A_1276 : i1
      %and3A_1278 = arith.andi %ne3A_1277, %ne3A_1272 : i1
      %add3A_1279 = arith.addi %rem3A_1270, %select_n3A_1269 : i32
      %select_n3A_1280 = arith.select %and3A_1278, %add3A_1279, %rem3A_1270 : i32
      %add3A_1281 = arith.addi %select_n3A_1280, %squeeze3A : i32
      %jit3A_1282 = arith.constant 0 : i32
      %jit3A_1283 = arith.constant 223 : i32
      %max3A_1284 = arith.maxsi %jit3A_1282, %add3A_1281 : i32
      %min3A_1285 = arith.minsi %jit3A_1283, %max3A_1284 : i32
      %mul3A_1286 = arith.constant 224 : i32
      %mul3A_1287 = arith.muli %select_n3A_1280, %mul3A_1286 : i32
      %dma_wait3A_1288 = arith.constant 0 : i32
      %dma_wait3A_1289 = tpu.memref_slice %arg5[%min3A_1285, %dma_wait3A_1288] : memref<447x128xf32, #tpu.memory_space<vmem>> -> memref<224x128xf32, #tpu.memory_space<vmem>>
      %dma_wait3A_1290 = arith.constant 0 : i32
      %dma_wait3A_1291 = tpu.memref_slice %arg4[%select_n3A_1264, %mul3A_1287, %dma_wait3A_1290] : memref<8x50176x128xf32, #tpu.memory_space<hbm>> -> memref<1x224x128xf32, #tpu.memory_space<hbm>>
      %dma_wait3A_1292 = tpu.memref_squeeze %dma_wait3A_1291 : memref<1x224x128xf32, #tpu.memory_space<hbm>> -> memref<224x128xf32, #tpu.memory_space<hbm>>
      %dma_wait3A_1293 = arith.constant 0 : i32
      %dma_wait3A_1294 = tpu.memref_slice %arg4[%select_n3A_1264, %mul3A_1287, %dma_wait3A_1293] : memref<8x50176x128xf32, #tpu.memory_space<hbm>> -> memref<1x224x128xf32, #tpu.memory_space<hbm>>
      %dma_wait3A_1295 = tpu.memref_squeeze %dma_wait3A_1294 : memref<1x224x128xf32, #tpu.memory_space<hbm>> -> memref<224x128xf32, #tpu.memory_space<hbm>>
      %dma_wait3A_1296 = arith.constant 0 : i32
      %dma_wait3A_1297 = tpu.memref_slice %arg5[%min3A_1285, %dma_wait3A_1296] : memref<447x128xf32, #tpu.memory_space<vmem>> -> memref<224x128xf32, #tpu.memory_space<vmem>>
      tpu.wait_dma2 semaphore(%arg7 : memref<!tpu.dma_semaphore, #tpu.memory_space<semaphore_mem>>) src(%dma_wait3A_1297 : memref<224x128xf32, #tpu.memory_space<vmem>>) dst(%dma_wait3A_1295 : memref<224x128xf32, #tpu.memory_space<hbm>>)
      %add3A_1298 = arith.constant 8 : i32
      %add3A_1299 = arith.addi %add3A_13, %add3A_1298 : i32
      %jit3A_1300 = arith.constant 224 : i32
      %div3A_1301 = arith.divsi %add3A_1299, %jit3A_1300 : i32
      %sign3A_1302 = arith.constant 0 : i32
      %sign3A_1303 = arith.cmpi sgt, %add3A_1299, %sign3A_1302 : i32
      %sign3A_1304 = arith.extui %sign3A_1303 : i1 to i32
      %sign3A_1305 = arith.constant 0 : i32
      %sign3A_1306 = arith.cmpi slt, %add3A_1299, %sign3A_1305 : i32
      %sign3A_1307 = arith.extui %sign3A_1306 : i1 to i32
      %sign3A_1308 = arith.subi %sign3A_1304, %sign3A_1307 : i32
      %sign3A_1309 = arith.constant 0 : i32
      %sign3A_1310 = arith.cmpi sgt, %jit3A_1300, %sign3A_1309 : i32
      %sign3A_1311 = arith.extui %sign3A_1310 : i1 to i32
      %sign3A_1312 = arith.constant 0 : i32
      %sign3A_1313 = arith.cmpi slt, %jit3A_1300, %sign3A_1312 : i32
      %sign3A_1314 = arith.extui %sign3A_1313 : i1 to i32
      %sign3A_1315 = arith.subi %sign3A_1311, %sign3A_1314 : i32
      %ne3A_1316 = arith.cmpi ne, %sign3A_1308, %sign3A_1315 : i32
      %rem3A_1317 = arith.remsi %add3A_1299, %jit3A_1300 : i32
      %ne3A_1318 = arith.constant 0 : i32
      %ne3A_1319 = arith.cmpi ne, %rem3A_1317, %ne3A_1318 : i32
      %and3A_1320 = arith.andi %ne3A_1316, %ne3A_1319 : i1
      %sub3A_1321 = arith.constant 1 : i32
      %sub3A_1322 = arith.subi %div3A_1301, %sub3A_1321 : i32
      %select_n3A_1323 = arith.select %and3A_1320, %sub3A_1322, %div3A_1301 : i32
      %jit3A_1324 = arith.constant 224 : i32
      %eq3A_1325 = arith.constant 0 : i32
      %eq3A_1326 = arith.cmpi eq, %jit3A_1324, %eq3A_1325 : i32
      %jit3A_1327 = arith.constant 1 : i32
      %select_n3A_1328 = arith.select %eq3A_1326, %jit3A_1327, %jit3A_1324 : i32
      %rem3A_1329 = arith.remsi %add3A_1299, %select_n3A_1328 : i32
      %ne3A_1330 = arith.constant 0 : i32
      %ne3A_1331 = arith.cmpi ne, %rem3A_1329, %ne3A_1330 : i32
      %lt3A_1332 = arith.constant 0 : i32
      %lt3A_1333 = arith.cmpi slt, %rem3A_1329, %lt3A_1332 : i32
      %lt3A_1334 = arith.constant 0 : i32
      %lt3A_1335 = arith.cmpi slt, %select_n3A_1328, %lt3A_1334 : i32
      %ne3A_1336 = arith.xori %lt3A_1333, %lt3A_1335 : i1
      %and3A_1337 = arith.andi %ne3A_1336, %ne3A_1331 : i1
      %add3A_1338 = arith.addi %rem3A_1329, %select_n3A_1328 : i32
      %select_n3A_1339 = arith.select %and3A_1337, %add3A_1338, %rem3A_1329 : i32
      %add3A_1340 = arith.addi %select_n3A_1339, %squeeze3A : i32
      %jit3A_1341 = arith.constant 0 : i32
      %jit3A_1342 = arith.constant 223 : i32
      %max3A_1343 = arith.maxsi %jit3A_1341, %add3A_1340 : i32
      %min3A_1344 = arith.minsi %jit3A_1342, %max3A_1343 : i32
      %mul3A_1345 = arith.constant 224 : i32
      %mul3A_1346 = arith.muli %select_n3A_1339, %mul3A_1345 : i32
      %dma_wait3A_1347 = arith.constant 0 : i32
      %dma_wait3A_1348 = tpu.memref_slice %arg5[%min3A_1344, %dma_wait3A_1347] : memref<447x128xf32, #tpu.memory_space<vmem>> -> memref<224x128xf32, #tpu.memory_space<vmem>>
      %dma_wait3A_1349 = arith.constant 0 : i32
      %dma_wait3A_1350 = tpu.memref_slice %arg4[%select_n3A_1323, %mul3A_1346, %dma_wait3A_1349] : memref<8x50176x128xf32, #tpu.memory_space<hbm>> -> memref<1x224x128xf32, #tpu.memory_space<hbm>>
      %dma_wait3A_1351 = tpu.memref_squeeze %dma_wait3A_1350 : memref<1x224x128xf32, #tpu.memory_space<hbm>> -> memref<224x128xf32, #tpu.memory_space<hbm>>
      %dma_wait3A_1352 = arith.constant 0 : i32
      %dma_wait3A_1353 = tpu.memref_slice %arg4[%select_n3A_1323, %mul3A_1346, %dma_wait3A_1352] : memref<8x50176x128xf32, #tpu.memory_space<hbm>> -> memref<1x224x128xf32, #tpu.memory_space<hbm>>
      %dma_wait3A_1354 = tpu.memref_squeeze %dma_wait3A_1353 : memref<1x224x128xf32, #tpu.memory_space<hbm>> -> memref<224x128xf32, #tpu.memory_space<hbm>>
      %dma_wait3A_1355 = arith.constant 0 : i32
      %dma_wait3A_1356 = tpu.memref_slice %arg5[%min3A_1344, %dma_wait3A_1355] : memref<447x128xf32, #tpu.memory_space<vmem>> -> memref<224x128xf32, #tpu.memory_space<vmem>>
      tpu.wait_dma2 semaphore(%arg7 : memref<!tpu.dma_semaphore, #tpu.memory_space<semaphore_mem>>) src(%dma_wait3A_1356 : memref<224x128xf32, #tpu.memory_space<vmem>>) dst(%dma_wait3A_1354 : memref<224x128xf32, #tpu.memory_space<hbm>>)
      %add3A_1357 = arith.constant 9 : i32
      %add3A_1358 = arith.addi %add3A_13, %add3A_1357 : i32
      %jit3A_1359 = arith.constant 224 : i32
      %div3A_1360 = arith.divsi %add3A_1358, %jit3A_1359 : i32
      %sign3A_1361 = arith.constant 0 : i32
      %sign3A_1362 = arith.cmpi sgt, %add3A_1358, %sign3A_1361 : i32
      %sign3A_1363 = arith.extui %sign3A_1362 : i1 to i32
      %sign3A_1364 = arith.constant 0 : i32
      %sign3A_1365 = arith.cmpi slt, %add3A_1358, %sign3A_1364 : i32
      %sign3A_1366 = arith.extui %sign3A_1365 : i1 to i32
      %sign3A_1367 = arith.subi %sign3A_1363, %sign3A_1366 : i32
      %sign3A_1368 = arith.constant 0 : i32
      %sign3A_1369 = arith.cmpi sgt, %jit3A_1359, %sign3A_1368 : i32
      %sign3A_1370 = arith.extui %sign3A_1369 : i1 to i32
      %sign3A_1371 = arith.constant 0 : i32
      %sign3A_1372 = arith.cmpi slt, %jit3A_1359, %sign3A_1371 : i32
      %sign3A_1373 = arith.extui %sign3A_1372 : i1 to i32
      %sign3A_1374 = arith.subi %sign3A_1370, %sign3A_1373 : i32
      %ne3A_1375 = arith.cmpi ne, %sign3A_1367, %sign3A_1374 : i32
      %rem3A_1376 = arith.remsi %add3A_1358, %jit3A_1359 : i32
      %ne3A_1377 = arith.constant 0 : i32
      %ne3A_1378 = arith.cmpi ne, %rem3A_1376, %ne3A_1377 : i32
      %and3A_1379 = arith.andi %ne3A_1375, %ne3A_1378 : i1
      %sub3A_1380 = arith.constant 1 : i32
      %sub3A_1381 = arith.subi %div3A_1360, %sub3A_1380 : i32
      %select_n3A_1382 = arith.select %and3A_1379, %sub3A_1381, %div3A_1360 : i32
      %jit3A_1383 = arith.constant 224 : i32
      %eq3A_1384 = arith.constant 0 : i32
      %eq3A_1385 = arith.cmpi eq, %jit3A_1383, %eq3A_1384 : i32
      %jit3A_1386 = arith.constant 1 : i32
      %select_n3A_1387 = arith.select %eq3A_1385, %jit3A_1386, %jit3A_1383 : i32
      %rem3A_1388 = arith.remsi %add3A_1358, %select_n3A_1387 : i32
      %ne3A_1389 = arith.constant 0 : i32
      %ne3A_1390 = arith.cmpi ne, %rem3A_1388, %ne3A_1389 : i32
      %lt3A_1391 = arith.constant 0 : i32
      %lt3A_1392 = arith.cmpi slt, %rem3A_1388, %lt3A_1391 : i32
      %lt3A_1393 = arith.constant 0 : i32
      %lt3A_1394 = arith.cmpi slt, %select_n3A_1387, %lt3A_1393 : i32
      %ne3A_1395 = arith.xori %lt3A_1392, %lt3A_1394 : i1
      %and3A_1396 = arith.andi %ne3A_1395, %ne3A_1390 : i1
      %add3A_1397 = arith.addi %rem3A_1388, %select_n3A_1387 : i32
      %select_n3A_1398 = arith.select %and3A_1396, %add3A_1397, %rem3A_1388 : i32
      %add3A_1399 = arith.addi %select_n3A_1398, %squeeze3A : i32
      %jit3A_1400 = arith.constant 0 : i32
      %jit3A_1401 = arith.constant 223 : i32
      %max3A_1402 = arith.maxsi %jit3A_1400, %add3A_1399 : i32
      %min3A_1403 = arith.minsi %jit3A_1401, %max3A_1402 : i32
      %mul3A_1404 = arith.constant 224 : i32
      %mul3A_1405 = arith.muli %select_n3A_1398, %mul3A_1404 : i32
      %dma_wait3A_1406 = arith.constant 0 : i32
      %dma_wait3A_1407 = tpu.memref_slice %arg5[%min3A_1403, %dma_wait3A_1406] : memref<447x128xf32, #tpu.memory_space<vmem>> -> memref<224x128xf32, #tpu.memory_space<vmem>>
      %dma_wait3A_1408 = arith.constant 0 : i32
      %dma_wait3A_1409 = tpu.memref_slice %arg4[%select_n3A_1382, %mul3A_1405, %dma_wait3A_1408] : memref<8x50176x128xf32, #tpu.memory_space<hbm>> -> memref<1x224x128xf32, #tpu.memory_space<hbm>>
      %dma_wait3A_1410 = tpu.memref_squeeze %dma_wait3A_1409 : memref<1x224x128xf32, #tpu.memory_space<hbm>> -> memref<224x128xf32, #tpu.memory_space<hbm>>
      %dma_wait3A_1411 = arith.constant 0 : i32
      %dma_wait3A_1412 = tpu.memref_slice %arg4[%select_n3A_1382, %mul3A_1405, %dma_wait3A_1411] : memref<8x50176x128xf32, #tpu.memory_space<hbm>> -> memref<1x224x128xf32, #tpu.memory_space<hbm>>
      %dma_wait3A_1413 = tpu.memref_squeeze %dma_wait3A_1412 : memref<1x224x128xf32, #tpu.memory_space<hbm>> -> memref<224x128xf32, #tpu.memory_space<hbm>>
      %dma_wait3A_1414 = arith.constant 0 : i32
      %dma_wait3A_1415 = tpu.memref_slice %arg5[%min3A_1403, %dma_wait3A_1414] : memref<447x128xf32, #tpu.memory_space<vmem>> -> memref<224x128xf32, #tpu.memory_space<vmem>>
      tpu.wait_dma2 semaphore(%arg7 : memref<!tpu.dma_semaphore, #tpu.memory_space<semaphore_mem>>) src(%dma_wait3A_1415 : memref<224x128xf32, #tpu.memory_space<vmem>>) dst(%dma_wait3A_1413 : memref<224x128xf32, #tpu.memory_space<hbm>>)
      %add3A_1416 = arith.constant 10 : i32
      %add3A_1417 = arith.addi %add3A_13, %add3A_1416 : i32
      %jit3A_1418 = arith.constant 224 : i32
      %div3A_1419 = arith.divsi %add3A_1417, %jit3A_1418 : i32
      %sign3A_1420 = arith.constant 0 : i32
      %sign3A_1421 = arith.cmpi sgt, %add3A_1417, %sign3A_1420 : i32
      %sign3A_1422 = arith.extui %sign3A_1421 : i1 to i32
      %sign3A_1423 = arith.constant 0 : i32
      %sign3A_1424 = arith.cmpi slt, %add3A_1417, %sign3A_1423 : i32
      %sign3A_1425 = arith.extui %sign3A_1424 : i1 to i32
      %sign3A_1426 = arith.subi %sign3A_1422, %sign3A_1425 : i32
      %sign3A_1427 = arith.constant 0 : i32
      %sign3A_1428 = arith.cmpi sgt, %jit3A_1418, %sign3A_1427 : i32
      %sign3A_1429 = arith.extui %sign3A_1428 : i1 to i32
      %sign3A_1430 = arith.constant 0 : i32
      %sign3A_1431 = arith.cmpi slt, %jit3A_1418, %sign3A_1430 : i32
      %sign3A_1432 = arith.extui %sign3A_1431 : i1 to i32
      %sign3A_1433 = arith.subi %sign3A_1429, %sign3A_1432 : i32
      %ne3A_1434 = arith.cmpi ne, %sign3A_1426, %sign3A_1433 : i32
      %rem3A_1435 = arith.remsi %add3A_1417, %jit3A_1418 : i32
      %ne3A_1436 = arith.constant 0 : i32
      %ne3A_1437 = arith.cmpi ne, %rem3A_1435, %ne3A_1436 : i32
      %and3A_1438 = arith.andi %ne3A_1434, %ne3A_1437 : i1
      %sub3A_1439 = arith.constant 1 : i32
      %sub3A_1440 = arith.subi %div3A_1419, %sub3A_1439 : i32
      %select_n3A_1441 = arith.select %and3A_1438, %sub3A_1440, %div3A_1419 : i32
      %jit3A_1442 = arith.constant 224 : i32
      %eq3A_1443 = arith.constant 0 : i32
      %eq3A_1444 = arith.cmpi eq, %jit3A_1442, %eq3A_1443 : i32
      %jit3A_1445 = arith.constant 1 : i32
      %select_n3A_1446 = arith.select %eq3A_1444, %jit3A_1445, %jit3A_1442 : i32
      %rem3A_1447 = arith.remsi %add3A_1417, %select_n3A_1446 : i32
      %ne3A_1448 = arith.constant 0 : i32
      %ne3A_1449 = arith.cmpi ne, %rem3A_1447, %ne3A_1448 : i32
      %lt3A_1450 = arith.constant 0 : i32
      %lt3A_1451 = arith.cmpi slt, %rem3A_1447, %lt3A_1450 : i32
      %lt3A_1452 = arith.constant 0 : i32
      %lt3A_1453 = arith.cmpi slt, %select_n3A_1446, %lt3A_1452 : i32
      %ne3A_1454 = arith.xori %lt3A_1451, %lt3A_1453 : i1
      %and3A_1455 = arith.andi %ne3A_1454, %ne3A_1449 : i1
      %add3A_1456 = arith.addi %rem3A_1447, %select_n3A_1446 : i32
      %select_n3A_1457 = arith.select %and3A_1455, %add3A_1456, %rem3A_1447 : i32
      %add3A_1458 = arith.addi %select_n3A_1457, %squeeze3A : i32
      %jit3A_1459 = arith.constant 0 : i32
      %jit3A_1460 = arith.constant 223 : i32
      %max3A_1461 = arith.maxsi %jit3A_1459, %add3A_1458 : i32
      %min3A_1462 = arith.minsi %jit3A_1460, %max3A_1461 : i32
      %mul3A_1463 = arith.constant 224 : i32
      %mul3A_1464 = arith.muli %select_n3A_1457, %mul3A_1463 : i32
      %dma_wait3A_1465 = arith.constant 0 : i32
      %dma_wait3A_1466 = tpu.memref_slice %arg5[%min3A_1462, %dma_wait3A_1465] : memref<447x128xf32, #tpu.memory_space<vmem>> -> memref<224x128xf32, #tpu.memory_space<vmem>>
      %dma_wait3A_1467 = arith.constant 0 : i32
      %dma_wait3A_1468 = tpu.memref_slice %arg4[%select_n3A_1441, %mul3A_1464, %dma_wait3A_1467] : memref<8x50176x128xf32, #tpu.memory_space<hbm>> -> memref<1x224x128xf32, #tpu.memory_space<hbm>>
      %dma_wait3A_1469 = tpu.memref_squeeze %dma_wait3A_1468 : memref<1x224x128xf32, #tpu.memory_space<hbm>> -> memref<224x128xf32, #tpu.memory_space<hbm>>
      %dma_wait3A_1470 = arith.constant 0 : i32
      %dma_wait3A_1471 = tpu.memref_slice %arg4[%select_n3A_1441, %mul3A_1464, %dma_wait3A_1470] : memref<8x50176x128xf32, #tpu.memory_space<hbm>> -> memref<1x224x128xf32, #tpu.memory_space<hbm>>
      %dma_wait3A_1472 = tpu.memref_squeeze %dma_wait3A_1471 : memref<1x224x128xf32, #tpu.memory_space<hbm>> -> memref<224x128xf32, #tpu.memory_space<hbm>>
      %dma_wait3A_1473 = arith.constant 0 : i32
      %dma_wait3A_1474 = tpu.memref_slice %arg5[%min3A_1462, %dma_wait3A_1473] : memref<447x128xf32, #tpu.memory_space<vmem>> -> memref<224x128xf32, #tpu.memory_space<vmem>>
      tpu.wait_dma2 semaphore(%arg7 : memref<!tpu.dma_semaphore, #tpu.memory_space<semaphore_mem>>) src(%dma_wait3A_1474 : memref<224x128xf32, #tpu.memory_space<vmem>>) dst(%dma_wait3A_1472 : memref<224x128xf32, #tpu.memory_space<hbm>>)
      %add3A_1475 = arith.constant 11 : i32
      %add3A_1476 = arith.addi %add3A_13, %add3A_1475 : i32
      %jit3A_1477 = arith.constant 224 : i32
      %div3A_1478 = arith.divsi %add3A_1476, %jit3A_1477 : i32
      %sign3A_1479 = arith.constant 0 : i32
      %sign3A_1480 = arith.cmpi sgt, %add3A_1476, %sign3A_1479 : i32
      %sign3A_1481 = arith.extui %sign3A_1480 : i1 to i32
      %sign3A_1482 = arith.constant 0 : i32
      %sign3A_1483 = arith.cmpi slt, %add3A_1476, %sign3A_1482 : i32
      %sign3A_1484 = arith.extui %sign3A_1483 : i1 to i32
      %sign3A_1485 = arith.subi %sign3A_1481, %sign3A_1484 : i32
      %sign3A_1486 = arith.constant 0 : i32
      %sign3A_1487 = arith.cmpi sgt, %jit3A_1477, %sign3A_1486 : i32
      %sign3A_1488 = arith.extui %sign3A_1487 : i1 to i32
      %sign3A_1489 = arith.constant 0 : i32
      %sign3A_1490 = arith.cmpi slt, %jit3A_1477, %sign3A_1489 : i32
      %sign3A_1491 = arith.extui %sign3A_1490 : i1 to i32
      %sign3A_1492 = arith.subi %sign3A_1488, %sign3A_1491 : i32
      %ne3A_1493 = arith.cmpi ne, %sign3A_1485, %sign3A_1492 : i32
      %rem3A_1494 = arith.remsi %add3A_1476, %jit3A_1477 : i32
      %ne3A_1495 = arith.constant 0 : i32
      %ne3A_1496 = arith.cmpi ne, %rem3A_1494, %ne3A_1495 : i32
      %and3A_1497 = arith.andi %ne3A_1493, %ne3A_1496 : i1
      %sub3A_1498 = arith.constant 1 : i32
      %sub3A_1499 = arith.subi %div3A_1478, %sub3A_1498 : i32
      %select_n3A_1500 = arith.select %and3A_1497, %sub3A_1499, %div3A_1478 : i32
      %jit3A_1501 = arith.constant 224 : i32
      %eq3A_1502 = arith.constant 0 : i32
      %eq3A_1503 = arith.cmpi eq, %jit3A_1501, %eq3A_1502 : i32
      %jit3A_1504 = arith.constant 1 : i32
      %select_n3A_1505 = arith.select %eq3A_1503, %jit3A_1504, %jit3A_1501 : i32
      %rem3A_1506 = arith.remsi %add3A_1476, %select_n3A_1505 : i32
      %ne3A_1507 = arith.constant 0 : i32
      %ne3A_1508 = arith.cmpi ne, %rem3A_1506, %ne3A_1507 : i32
      %lt3A_1509 = arith.constant 0 : i32
      %lt3A_1510 = arith.cmpi slt, %rem3A_1506, %lt3A_1509 : i32
      %lt3A_1511 = arith.constant 0 : i32
      %lt3A_1512 = arith.cmpi slt, %select_n3A_1505, %lt3A_1511 : i32
      %ne3A_1513 = arith.xori %lt3A_1510, %lt3A_1512 : i1
      %and3A_1514 = arith.andi %ne3A_1513, %ne3A_1508 : i1
      %add3A_1515 = arith.addi %rem3A_1506, %select_n3A_1505 : i32
      %select_n3A_1516 = arith.select %and3A_1514, %add3A_1515, %rem3A_1506 : i32
      %add3A_1517 = arith.addi %select_n3A_1516, %squeeze3A : i32
      %jit3A_1518 = arith.constant 0 : i32
      %jit3A_1519 = arith.constant 223 : i32
      %max3A_1520 = arith.maxsi %jit3A_1518, %add3A_1517 : i32
      %min3A_1521 = arith.minsi %jit3A_1519, %max3A_1520 : i32
      %mul3A_1522 = arith.constant 224 : i32
      %mul3A_1523 = arith.muli %select_n3A_1516, %mul3A_1522 : i32
      %dma_wait3A_1524 = arith.constant 0 : i32
      %dma_wait3A_1525 = tpu.memref_slice %arg5[%min3A_1521, %dma_wait3A_1524] : memref<447x128xf32, #tpu.memory_space<vmem>> -> memref<224x128xf32, #tpu.memory_space<vmem>>
      %dma_wait3A_1526 = arith.constant 0 : i32
      %dma_wait3A_1527 = tpu.memref_slice %arg4[%select_n3A_1500, %mul3A_1523, %dma_wait3A_1526] : memref<8x50176x128xf32, #tpu.memory_space<hbm>> -> memref<1x224x128xf32, #tpu.memory_space<hbm>>
      %dma_wait3A_1528 = tpu.memref_squeeze %dma_wait3A_1527 : memref<1x224x128xf32, #tpu.memory_space<hbm>> -> memref<224x128xf32, #tpu.memory_space<hbm>>
      %dma_wait3A_1529 = arith.constant 0 : i32
      %dma_wait3A_1530 = tpu.memref_slice %arg4[%select_n3A_1500, %mul3A_1523, %dma_wait3A_1529] : memref<8x50176x128xf32, #tpu.memory_space<hbm>> -> memref<1x224x128xf32, #tpu.memory_space<hbm>>
      %dma_wait3A_1531 = tpu.memref_squeeze %dma_wait3A_1530 : memref<1x224x128xf32, #tpu.memory_space<hbm>> -> memref<224x128xf32, #tpu.memory_space<hbm>>
      %dma_wait3A_1532 = arith.constant 0 : i32
      %dma_wait3A_1533 = tpu.memref_slice %arg5[%min3A_1521, %dma_wait3A_1532] : memref<447x128xf32, #tpu.memory_space<vmem>> -> memref<224x128xf32, #tpu.memory_space<vmem>>
      tpu.wait_dma2 semaphore(%arg7 : memref<!tpu.dma_semaphore, #tpu.memory_space<semaphore_mem>>) src(%dma_wait3A_1533 : memref<224x128xf32, #tpu.memory_space<vmem>>) dst(%dma_wait3A_1531 : memref<224x128xf32, #tpu.memory_space<hbm>>)
      %add3A_1534 = arith.constant 12 : i32
      %add3A_1535 = arith.addi %add3A_13, %add3A_1534 : i32
      %jit3A_1536 = arith.constant 224 : i32
      %div3A_1537 = arith.divsi %add3A_1535, %jit3A_1536 : i32
      %sign3A_1538 = arith.constant 0 : i32
      %sign3A_1539 = arith.cmpi sgt, %add3A_1535, %sign3A_1538 : i32
      %sign3A_1540 = arith.extui %sign3A_1539 : i1 to i32
      %sign3A_1541 = arith.constant 0 : i32
      %sign3A_1542 = arith.cmpi slt, %add3A_1535, %sign3A_1541 : i32
      %sign3A_1543 = arith.extui %sign3A_1542 : i1 to i32
      %sign3A_1544 = arith.subi %sign3A_1540, %sign3A_1543 : i32
      %sign3A_1545 = arith.constant 0 : i32
      %sign3A_1546 = arith.cmpi sgt, %jit3A_1536, %sign3A_1545 : i32
      %sign3A_1547 = arith.extui %sign3A_1546 : i1 to i32
      %sign3A_1548 = arith.constant 0 : i32
      %sign3A_1549 = arith.cmpi slt, %jit3A_1536, %sign3A_1548 : i32
      %sign3A_1550 = arith.extui %sign3A_1549 : i1 to i32
      %sign3A_1551 = arith.subi %sign3A_1547, %sign3A_1550 : i32
      %ne3A_1552 = arith.cmpi ne, %sign3A_1544, %sign3A_1551 : i32
      %rem3A_1553 = arith.remsi %add3A_1535, %jit3A_1536 : i32
      %ne3A_1554 = arith.constant 0 : i32
      %ne3A_1555 = arith.cmpi ne, %rem3A_1553, %ne3A_1554 : i32
      %and3A_1556 = arith.andi %ne3A_1552, %ne3A_1555 : i1
      %sub3A_1557 = arith.constant 1 : i32
      %sub3A_1558 = arith.subi %div3A_1537, %sub3A_1557 : i32
      %select_n3A_1559 = arith.select %and3A_1556, %sub3A_1558, %div3A_1537 : i32
      %jit3A_1560 = arith.constant 224 : i32
      %eq3A_1561 = arith.constant 0 : i32
      %eq3A_1562 = arith.cmpi eq, %jit3A_1560, %eq3A_1561 : i32
      %jit3A_1563 = arith.constant 1 : i32
      %select_n3A_1564 = arith.select %eq3A_1562, %jit3A_1563, %jit3A_1560 : i32
      %rem3A_1565 = arith.remsi %add3A_1535, %select_n3A_1564 : i32
      %ne3A_1566 = arith.constant 0 : i32
      %ne3A_1567 = arith.cmpi ne, %rem3A_1565, %ne3A_1566 : i32
      %lt3A_1568 = arith.constant 0 : i32
      %lt3A_1569 = arith.cmpi slt, %rem3A_1565, %lt3A_1568 : i32
      %lt3A_1570 = arith.constant 0 : i32
      %lt3A_1571 = arith.cmpi slt, %select_n3A_1564, %lt3A_1570 : i32
      %ne3A_1572 = arith.xori %lt3A_1569, %lt3A_1571 : i1
      %and3A_1573 = arith.andi %ne3A_1572, %ne3A_1567 : i1
      %add3A_1574 = arith.addi %rem3A_1565, %select_n3A_1564 : i32
      %select_n3A_1575 = arith.select %and3A_1573, %add3A_1574, %rem3A_1565 : i32
      %add3A_1576 = arith.addi %select_n3A_1575, %squeeze3A : i32
      %jit3A_1577 = arith.constant 0 : i32
      %jit3A_1578 = arith.constant 223 : i32
      %max3A_1579 = arith.maxsi %jit3A_1577, %add3A_1576 : i32
      %min3A_1580 = arith.minsi %jit3A_1578, %max3A_1579 : i32
      %mul3A_1581 = arith.constant 224 : i32
      %mul3A_1582 = arith.muli %select_n3A_1575, %mul3A_1581 : i32
      %dma_wait3A_1583 = arith.constant 0 : i32
      %dma_wait3A_1584 = tpu.memref_slice %arg5[%min3A_1580, %dma_wait3A_1583] : memref<447x128xf32, #tpu.memory_space<vmem>> -> memref<224x128xf32, #tpu.memory_space<vmem>>
      %dma_wait3A_1585 = arith.constant 0 : i32
      %dma_wait3A_1586 = tpu.memref_slice %arg4[%select_n3A_1559, %mul3A_1582, %dma_wait3A_1585] : memref<8x50176x128xf32, #tpu.memory_space<hbm>> -> memref<1x224x128xf32, #tpu.memory_space<hbm>>
      %dma_wait3A_1587 = tpu.memref_squeeze %dma_wait3A_1586 : memref<1x224x128xf32, #tpu.memory_space<hbm>> -> memref<224x128xf32, #tpu.memory_space<hbm>>
      %dma_wait3A_1588 = arith.constant 0 : i32
      %dma_wait3A_1589 = tpu.memref_slice %arg4[%select_n3A_1559, %mul3A_1582, %dma_wait3A_1588] : memref<8x50176x128xf32, #tpu.memory_space<hbm>> -> memref<1x224x128xf32, #tpu.memory_space<hbm>>
      %dma_wait3A_1590 = tpu.memref_squeeze %dma_wait3A_1589 : memref<1x224x128xf32, #tpu.memory_space<hbm>> -> memref<224x128xf32, #tpu.memory_space<hbm>>
      %dma_wait3A_1591 = arith.constant 0 : i32
      %dma_wait3A_1592 = tpu.memref_slice %arg5[%min3A_1580, %dma_wait3A_1591] : memref<447x128xf32, #tpu.memory_space<vmem>> -> memref<224x128xf32, #tpu.memory_space<vmem>>
      tpu.wait_dma2 semaphore(%arg7 : memref<!tpu.dma_semaphore, #tpu.memory_space<semaphore_mem>>) src(%dma_wait3A_1592 : memref<224x128xf32, #tpu.memory_space<vmem>>) dst(%dma_wait3A_1590 : memref<224x128xf32, #tpu.memory_space<hbm>>)
      %add3A_1593 = arith.constant 13 : i32
      %add3A_1594 = arith.addi %add3A_13, %add3A_1593 : i32
      %jit3A_1595 = arith.constant 224 : i32
      %div3A_1596 = arith.divsi %add3A_1594, %jit3A_1595 : i32
      %sign3A_1597 = arith.constant 0 : i32
      %sign3A_1598 = arith.cmpi sgt, %add3A_1594, %sign3A_1597 : i32
      %sign3A_1599 = arith.extui %sign3A_1598 : i1 to i32
      %sign3A_1600 = arith.constant 0 : i32
      %sign3A_1601 = arith.cmpi slt, %add3A_1594, %sign3A_1600 : i32
      %sign3A_1602 = arith.extui %sign3A_1601 : i1 to i32
      %sign3A_1603 = arith.subi %sign3A_1599, %sign3A_1602 : i32
      %sign3A_1604 = arith.constant 0 : i32
      %sign3A_1605 = arith.cmpi sgt, %jit3A_1595, %sign3A_1604 : i32
      %sign3A_1606 = arith.extui %sign3A_1605 : i1 to i32
      %sign3A_1607 = arith.constant 0 : i32
      %sign3A_1608 = arith.cmpi slt, %jit3A_1595, %sign3A_1607 : i32
      %sign3A_1609 = arith.extui %sign3A_1608 : i1 to i32
      %sign3A_1610 = arith.subi %sign3A_1606, %sign3A_1609 : i32
      %ne3A_1611 = arith.cmpi ne, %sign3A_1603, %sign3A_1610 : i32
      %rem3A_1612 = arith.remsi %add3A_1594, %jit3A_1595 : i32
      %ne3A_1613 = arith.constant 0 : i32
      %ne3A_1614 = arith.cmpi ne, %rem3A_1612, %ne3A_1613 : i32
      %and3A_1615 = arith.andi %ne3A_1611, %ne3A_1614 : i1
      %sub3A_1616 = arith.constant 1 : i32
      %sub3A_1617 = arith.subi %div3A_1596, %sub3A_1616 : i32
      %select_n3A_1618 = arith.select %and3A_1615, %sub3A_1617, %div3A_1596 : i32
      %jit3A_1619 = arith.constant 224 : i32
      %eq3A_1620 = arith.constant 0 : i32
      %eq3A_1621 = arith.cmpi eq, %jit3A_1619, %eq3A_1620 : i32
      %jit3A_1622 = arith.constant 1 : i32
      %select_n3A_1623 = arith.select %eq3A_1621, %jit3A_1622, %jit3A_1619 : i32
      %rem3A_1624 = arith.remsi %add3A_1594, %select_n3A_1623 : i32
      %ne3A_1625 = arith.constant 0 : i32
      %ne3A_1626 = arith.cmpi ne, %rem3A_1624, %ne3A_1625 : i32
      %lt3A_1627 = arith.constant 0 : i32
      %lt3A_1628 = arith.cmpi slt, %rem3A_1624, %lt3A_1627 : i32
      %lt3A_1629 = arith.constant 0 : i32
      %lt3A_1630 = arith.cmpi slt, %select_n3A_1623, %lt3A_1629 : i32
      %ne3A_1631 = arith.xori %lt3A_1628, %lt3A_1630 : i1
      %and3A_1632 = arith.andi %ne3A_1631, %ne3A_1626 : i1
      %add3A_1633 = arith.addi %rem3A_1624, %select_n3A_1623 : i32
      %select_n3A_1634 = arith.select %and3A_1632, %add3A_1633, %rem3A_1624 : i32
      %add3A_1635 = arith.addi %select_n3A_1634, %squeeze3A : i32
      %jit3A_1636 = arith.constant 0 : i32
      %jit3A_1637 = arith.constant 223 : i32
      %max3A_1638 = arith.maxsi %jit3A_1636, %add3A_1635 : i32
      %min3A_1639 = arith.minsi %jit3A_1637, %max3A_1638 : i32
      %mul3A_1640 = arith.constant 224 : i32
      %mul3A_1641 = arith.muli %select_n3A_1634, %mul3A_1640 : i32
      %dma_wait3A_1642 = arith.constant 0 : i32
      %dma_wait3A_1643 = tpu.memref_slice %arg5[%min3A_1639, %dma_wait3A_1642] : memref<447x128xf32, #tpu.memory_space<vmem>> -> memref<224x128xf32, #tpu.memory_space<vmem>>
      %dma_wait3A_1644 = arith.constant 0 : i32
      %dma_wait3A_1645 = tpu.memref_slice %arg4[%select_n3A_1618, %mul3A_1641, %dma_wait3A_1644] : memref<8x50176x128xf32, #tpu.memory_space<hbm>> -> memref<1x224x128xf32, #tpu.memory_space<hbm>>
      %dma_wait3A_1646 = tpu.memref_squeeze %dma_wait3A_1645 : memref<1x224x128xf32, #tpu.memory_space<hbm>> -> memref<224x128xf32, #tpu.memory_space<hbm>>
      %dma_wait3A_1647 = arith.constant 0 : i32
      %dma_wait3A_1648 = tpu.memref_slice %arg4[%select_n3A_1618, %mul3A_1641, %dma_wait3A_1647] : memref<8x50176x128xf32, #tpu.memory_space<hbm>> -> memref<1x224x128xf32, #tpu.memory_space<hbm>>
      %dma_wait3A_1649 = tpu.memref_squeeze %dma_wait3A_1648 : memref<1x224x128xf32, #tpu.memory_space<hbm>> -> memref<224x128xf32, #tpu.memory_space<hbm>>
      %dma_wait3A_1650 = arith.constant 0 : i32
      %dma_wait3A_1651 = tpu.memref_slice %arg5[%min3A_1639, %dma_wait3A_1650] : memref<447x128xf32, #tpu.memory_space<vmem>> -> memref<224x128xf32, #tpu.memory_space<vmem>>
      tpu.wait_dma2 semaphore(%arg7 : memref<!tpu.dma_semaphore, #tpu.memory_space<semaphore_mem>>) src(%dma_wait3A_1651 : memref<224x128xf32, #tpu.memory_space<vmem>>) dst(%dma_wait3A_1649 : memref<224x128xf32, #tpu.memory_space<hbm>>)
    }
    %scan3A_9 = arith.constant 4 : i32
    return
  }
}

</mosaic_0001>

<sc_bundles>
// kernel: kernel.3.cloned.1.call-start
scs
__scs_entry_jumppad:
0x0: {  	(pc) =	sbr.rel $0x88, $3  }
0x1: {  	(tag) =	ssettag $0x0;
	lr =	simm.s32 $0x1  }
0x2: {  	[smem:$0x3F9D] =	sst lr;
	_ =	strace $0xD0000000  }
0x3: {  	_ = 	snop  }
0x4: {  	_ = 	snop  }
0x5: {  	_ = 	snop  }
0x6: {  	_ = 	snop  }
0x7: {  	_ = 	snop  }
__scs_overlays_trampoline_lowered:
0x8: {  	[smem:$0x3FAC] =	sst s0  }
0x9: {  	[smem:$0x3FAD] =	sst s1  }
0xa: {  	[smem:$0x3FAE] =	sst s2  }
0xb: {  	[smem:$0x3FAF] =	sst s3  }
0xc: {  	[smem:$0x3FB0] =	sst s4  }
0xd: {  	[smem:$0x3FB1] =	sst s5  }
0xe: {  	[smem:$0x3FB2] =	sst s6  }
0xf: {  	[smem:$0x3FB3] =	sst s7  }
0x10: {  	[smem:$0x3FB4] =	sst s8  }
0x11: {  	[smem:$0x3FB5] =	sst s9;
	s0 =	simm.s32 @!p0 $0x0  }
0x12: {  	s1 =	sld [smem:$0x3F9B];
	s0 =	simm.s32 @p0 $0x1  }
0x13: {  	[smem:$0x3FB6] =	sst s0;
	s0 =	simm.s32 @!p1 $0x0  }
0x14: {  	s2 =	sld [smem:$0x3F9A];
	s0 =	simm.s32 @p1 $0x1  }
0x15: {  	[smem:$0x3FB7] =	sst s0;
	s0 =	simm.s32 @!p2 $0x0  }
0x16: {  	s3 =	sld [smem:$0x3FDB];
	s0 =	simm.s32 @p2 $0x1  }
0x17: {  	s4 =	simm.s32 $0x1BF5;
	[smem:$0x3FB9] =	sst s0  }
0x18: {  	s0 =	sld [smem:$0x3F9C];
	_ =	swait.ge [sflag:s4], $0x0  }
0x19: {  	s7 =	sld [smem:$0x3F9D]  }
0x1a: {  	s8 =	sadd.s32 $0xFFFFE003, lr  }
0x1b: {  	s9 =	sadd.s32 $0xFFFFFEF7, lr;
	s5 =	simm.s32 $0xFFFFFFFF;
	p2 =	slt.u32 s8, $0xFFFFF086  }
0x1c: {  	p1 =	slt.u32 s9, $0xF7A;
	s5 =	simm.s32 @!p2 $0x0  }
0x1d: {  	s5 =	simm.s32 @p1 $0x1;
	p0 =	seq.s32 s7, s2  }
0x1e: {  	s7 =	smul.u32 @!p0 $0xF7A, s2;
	p2 =	seq.s32 @!p0 s5, $0x0  }
0x1f: {  	s9 =	smul.u32 $0xF7A, s1;
	s8 =	simm.s32 @!p0 $0x1BF5;
	p2 =	por !p2, p0  }
0x20: {  	[sflag:s8] =	ssyncset.s32 @!p0 $0xFFFFF086;
	s6 =	sadd.s32 @!p0 s3, s7;
	s7 =	simm.s32 @!p0 $0x108  }
0x21: {  	s3 =	sadd.s32 s3, s9;
	s6 =	sadd.s32 @!p0 $0x88, s6;
	s7 =	simm.s32 @p2 $0x1082  }
0x22: {  	[simem:s7], [sflag:s8] =	dma.local @!p0 [hbm:s6], $0xF7A  }
0x23: {  	s9 =	sor.u32 $0xD0000000, s2;
	s6 =	simm.s32 $0x108;
	_ =	swait.ge @!p0 [sflag:s8], $0x0  }
0x24: {  	s3 =	sadd.s32 $0x88, s3;
	s6 =	simm.s32 @!p1 $0x1082;
	[sflag:s4] =	ssyncset.s32 $0xFFFFF086  }
0x25: {  	[simem:s6], [sflag:s4] =	dma.local [hbm:s3], $0xF7A  }
0x26: {  	[smem:$0x3F9D] =	sst s1;
	(tag) =	ssettag s2;
	_ =	strace s9  }
0x27: {  	s1 =	sld [smem:$0x3FAD]  }
0x28: {  	s2 =	sld [smem:$0x3FAE]  }
0x29: {  	s4 =	sld [smem:$0x3FB0]  }
0x2a: {  	p0 =	seq.s32 s5, $0x0;
	s5 =	sld [smem:$0x3FB1]  }
0x2b: {  	s6 =	sld [smem:$0x3FB2]  }
0x2c: {  	s7 =	sld [smem:$0x3FB3]  }
0x2d: {  	s3 =	simm.s32 $0x108;
	s8 =	sld [smem:$0x3FB4]  }
0x2e: {  	s3 =	simm.s32 @!p0 $0x1082;
	s9 =	sld [smem:$0x3FB5]  }
0x2f: {  	lr =	sadd.s32 s0, s3;
	s0 =	sld [smem:$0x3FAC]  }
0x30: {  	s3 =	sld [smem:$0x3FAF]  }
0x31: {  	[smem:$0x3FB8] =	sst s10  }
0x32: {  	s10 =	sld [smem:$0x3FB6];
	_ =	sdelay $0x3  }
0x33: {  	p0 =	seq.s32 s10, $0x1;
	s10 =	sld [smem:$0x3FB8];
	_ =	sdelay $0x3  }
0x34: {  	[smem:$0x3FB8] =	sst s10  }
0x35: {  	s10 =	sld [smem:$0x3FB7];
	_ =	sdelay $0x3  }
0x36: {  	p1 =	seq.s32 s10, $0x1;
	s10 =	sld [smem:$0x3FB8];
	_ =	sdelay $0x3  }
0x37: {  	[smem:$0x3FB8] =	sst s10  }
0x38: {  	s10 =	sld [smem:$0x3FB9]  }
0x39: {  	_ = 	snop;
	(pc) =	sbr.ind lr, $3  }
0x3a: {  	_ = 	snop  }
0x3b: {  	_ = 	snop  }
0x3c: {  	p2 =	seq.s32 s10, $0x1;
	s10 =	sld [smem:$0x3FB8]  }
0x3d: {  	_ =	shalt  }
0x3e: {  	_ =	shalt  }
0x3f: {  	_ =	shalt  }
0x40: {  	_ =	shalt  }
0x41: {  	_ =	shalt  }
0x42: {  	_ =	shalt  }
0x43: {  	_ =	shalt  }
0x44: {  	_ =	shalt  }
0x45: {  	_ =	shalt  }
0x46: {  	_ =	shalt  }
0x47: {  	_ =	shalt  }
0x48: {  	_ =	shalt  }
0x49: {  	_ =	shalt  }
0x4a: {  	_ =	shalt  }
0x4b: {  	_ =	shalt  }
0x4c: {  	_ =	shalt  }
0x4d: {  	_ =	shalt  }
0x4e: {  	_ =	shalt  }
0x4f: {  	_ =	shalt  }
0x50: {  	_ =	shalt  }
0x51: {  	_ =	shalt  }
0x52: {  	_ =	shalt  }
0x53: {  	_ =	shalt  }
0x54: {  	_ =	shalt  }
0x55: {  	_ =	shalt  }
0x56: {  	_ =	shalt  }
0x57: {  	_ =	shalt  }
0x58: {  	_ =	shalt  }
0x59: {  	_ =	shalt  }
0x5a: {  	_ =	shalt  }
0x5b: {  	_ =	shalt  }
0x5c: {  	_ =	shalt  }
0x5d: {  	_ =	shalt  }
0x5e: {  	_ =	shalt  }
0x5f: {  	_ =	shalt  }
0x60: {  	_ =	shalt  }
0x61: {  	_ =	shalt  }
0x62: {  	_ =	shalt  }
0x63: {  	_ =	shalt  }
0x64: {  	_ =	shalt  }
0x65: {  	_ =	shalt  }
0x66: {  	_ =	shalt  }
0x67: {  	_ =	shalt  }
0x68: {  	_ =	shalt  }
0x69: {  	_ =	shalt  }
0x6a: {  	_ =	shalt  }
0x6b: {  	_ =	shalt  }
0x6c: {  	_ =	shalt  }
0x6d: {  	_ =	shalt  }
0x6e: {  	_ =	shalt  }
0x6f: {  	_ =	shalt  }
0x70: {  	_ =	shalt  }
0x71: {  	_ =	shalt  }
0x72: {  	_ =	shalt  }
0x73: {  	_ =	shalt  }
0x74: {  	_ =	shalt  }
0x75: {  	_ =	shalt  }
0x76: {  	_ =	shalt  }
0x77: {  	_ =	shalt  }
0x78: {  	_ =	shalt  }
0x79: {  	_ =	shalt  }
0x7a: {  	_ =	shalt  }
0x7b: {  	_ =	shalt  }
0x7c: {  	_ =	shalt  }
0x7d: {  	_ =	shalt  }
0x7e: {  	_ =	shalt  }
0x7f: {  	_ =	shalt  }
0x80: {  	_ =	shalt  }
0x81: {  	_ =	shalt  }
0x82: {  	_ =	shalt  }
0x83: {  	_ =	shalt  }
0x84: {  	_ =	shalt  }
0x85: {  	_ =	shalt  }
0x86: {  	_ =	shalt  }
0x87: {  	_ =	shalt  }
.Lfunc_end0:
.L_simem_size_0:
called_computation_lowered:
.L_overlay_start_0:
0x88: {  	s2 =	sld [smem:$0x3FD9]  }
0x89: {  	s3 =	sld [smem:$0x3FFE];
	_ =	sdelay $0x1  }
0x8a: {  	s1 =	srdreg.scid  }
0x8b: {  	s0 =	sand.u32 $0x1, s1  }
0x8c: {  	s17 =	sshll.u32 s0, $0xA;
	s2 =	sadd.s32 s3, s2  }
0x8d: {  	s2 =	sadd.s32 s2, s17  }
0x8e: {  	[smem:$0x3FC4] =	sst s2  }
0x8f: {  	_ = 	snop  }
0x90: {  	s2 =	sld [smem:$0x3FC6]  }
0x91: {  	s18 =	sld [smem:$0x3FD0];
	(tm) =	ssettm $0x1  }
0x92: {  	s4 =	sld [smem:$0x3FFB];
	_ =	sdelay $0x3  }
0x93: {  	_ =	strace s4  }
0x94: {  	s4 =	sld [smem:$0x3FFC];
	_ =	sdelay $0x3  }
0x95: {  	_ =	strace s4  }
0x96: {  	s4 =	sld [smem:$0x3FFD];
	_ =	sdelay $0x3  }
0x97: {  	_ =	strace s4  }
0x98: {  	_ =	strace $0x8FFFFFFF  }
0x99: {  	s19 =	sld [smem:$0x3FDB];
	_ =	sdelay $0x1  }
0x9a: {  	s5 =	simm.s32 $_scs_section_size  }
0x9b: {  	s6 =	simm.s32 $_size__tile_overlayer_lowered;
	s7 =	simm.s32 $_tile_overlayer_lowered  }
0x9c: {  	s22 =	simm.s32 $0x1BFF;
	s21 =	sshll.u32 s7, $0x1;
	s4 =	sadd.s32 s5, s19  }
0x9d: {  	s8 =	simm.s32 $0x0;
	s20 =	sshll.u32 s6, $0x1;
	s6 =	sadd.s32 s21, s4  }
0x9e: {  	[timem:s8], [sflag:s22] =	dma.local [hbm:s6], s20  }
0x9f: {  	_ =	swait.ge [sflag:s22], s20  }
0xa0: {  	s5 =	ssub.s32 $0x0, s20;
	[sflag:s22] =	ssyncset.done $0x0  }
0xa1: {  	[sflag:s22] =	ssyncadd.s32 s5;
	_ =	sdelay $0x1  }
0xa2: {  	s23 =	simm.s32 $0x1B8B  }
0xa3: {  	_ =	swait.ge [sflag:s23], $0x1  }
0xa4: {  	[sflag:s23] =	ssyncset.done $0x0  }
0xa5: {  	s25 =	simm.s32 $0x1B8E;
	s24 =	sld [smem:$0x3FFE];
	[sflag:s23] =	ssyncadd.s32 $0xFFFFFFFF  }
0xa6: {  	s26 =	simm.s32 $execute0_lowered;
	[smem:$0x3FD2] =	sst s25  }
0xa7: {  	s6 =	sshll.u32 s26, $0x1;
	_ =	strace $0x80000046;
	[dreg:$0x1] =	wrdreg $0xFFFFFFFF  }
0xa8: {  	s28 =	simm.s32 $_size_execute0_lowered;
	s4 =	sadd.s32 s4, s6;
	[dreg:$0x0] =	wrdreg $0x0  }
0xa9: {  	s6 =	sshll.u32 s28, $0x1;
	[dreg:$0x2] =	wrdreg s4  }
0xaa: {  	[dreg:$0x3] =	wrdreg s6  }
0xab: {  	[dreg:$0x4] =	wrdreg $0xC0  }
0xac: {  	_ =	task [dreg:s8], $0x5FFFF  }
0xad: {  	[dreg:$0x1] =	wrdreg $0xFFFFFFFF  }
0xae: {  	[dreg:$0x0] =	wrdreg $0x60  }
0xaf: {  	[dreg:$0x2] =	wrdreg s2  }
0xb0: {  	[dreg:$0x3] =	wrdreg s24  }
0xb1: {  	[dreg:$0x4] =	wrdreg s18  }
0xb2: {  	[dreg:$0x5] =	wrdreg $0x9  }
0xb3: {  	_ =	task.clear_ibuf [dreg:s8], $0x6FFFF;
	_ =	strace $0x90000046  }
0xb4: {  	s29 =	simm.s32 $0x9;
	_ =	strace $0x80000048  }
0xb5: {  	_ =	swait.ge [sflag:s29], $0x1  }
0xb6: {  	[sflag:s29] =	ssyncadd.s32 $0xFFFFFFFF  }
0xb7: {  	_ =	strace $0x90000048  }
0xb8: {  	_ =	sfence  }
0xb9: {  	s30 =	sld [smem:$0x0];
	_ =	sdelay $0x2  }
0xba: {  	s31 =	sshll.u32 s1, $0xD;
	s1 =	sshrl.u32 s1, $0x2  }
0xbb: {  	s3 =	sand.u32 $0x4000, s31;
	s1 =	sadd.s32 s1, s30  }
0xbc: {  	s0 =	sor.u32 s3, s0;
	s1 =	sshll.u32 s1, $0x11  }
0xbd: {  	s0 =	sor.u32 s1, s0  }
0xbe: {  	s0 =	sadd.s32 $0x8F2B, s0  }
0xbf: {  	[sflag:s0] =	ssyncadd.remote.s32 $0x1  }
0xc0: {  	_ =	sfence.sel $0xFFFF  }
0xc1: {  	[dreg:$0x0] =	wrdreg $0xFFFFFFFF;
	(pc) =	sbr.abs _section_cstart, $3  }
0xc2: {  	[dreg:$0x1] =	wrdreg $0xFFFFFFFF  }
0xc3: {  	_ =	task.clear_ibuf [dreg:s8], $0x2FFFF;
	_ =	strace $0x9FFFFFFF  }
0xc4: {  	(tm) =	ssettm $0x7FFFFFFF  }
0xc5: {  	_ =	shalt  }
tec
execute0_lowered:
.L_overlay_start_1:
0x0: {  	(tag) =	ssettag $0x1  }
0x1: {  	s4 =	stileid.u32  }
0x2: {  	s1 =	srdreg.scid;
	s11 =	smul.u32 $0x310000, s4  }
0x3: {  	s1 =	sand.u32 $0x1, s1;
	s13 =	smul.u32 $0x62000, s4  }
0x4: {  	s0 =	rddreg [dreg:$0x1];
	s2 =	smul.u32 $0x38, s1  }
0x5: {  	s17 =	rddreg [dreg:$0x2];
	s3 =	simm.s32 $0x0;
	s6 =	smul.u32 $0x188000, s1  }
0x6: {  	[smem:$0x7FF] =	sst s3;
	s5 =	ssub.s32 $0x2, s1;
	s1 =	smul.u32 $0x31000, s1  }
0x7: {  	s0 =	sadd.s32 $0x400, s0;
	s7 =	smul.u32 $0x70, s4;
	_ =	strace $0x80000047  }
0x8: {  	[smem:$0x7EE] =	sst s0;
	s12 =	sshrl.u32 s5, $0x1;
	s19 =	sadd.s32 s1, s13  }
0x9: {  	s0 =	ssub.s32 s5, s12;
	s14 =	sadd.s32 s2, s7;
	[dreg:$0x5] =	wrdreg s19  }
0xa: {  	s3 =	sadd.s32 s6, s11;
	s0 =	smax.u32 s0, $0x1;
	[dreg:$0x1c] =	wrdreg s14  }
0xb: {  	s15 =	sshrl.u32 s3, $0x3;
	[smem:$0x7EF] =	sst s0  }
0xc: {  	s16 =	sor.u32 $0x1, s14;
	[dreg:$0x4] =	wrdreg s15  }
0xd: {  	s18 =	sadd.s32 $0xD, s14;
	[smem:$0x7F0] =	sst s16  }
0xe: {  	s20 =	sadd.s32 $0xC, s14;
	[smem:$0x7F2] =	sst s18  }
0xf: {  	s21 =	sadd.s32 $0xB, s14;
	[smem:$0x7F3] =	sst s20  }
0x10: {  	s22 =	sadd.s32 $0xA, s14;
	[smem:$0x7F4] =	sst s21  }
0x11: {  	s23 =	sadd.s32 $0x9, s14;
	[smem:$0x7F5] =	sst s22  }
0x12: {  	s24 =	sadd.s32 $0x8, s14;
	[smem:$0x7F6] =	sst s23  }
0x13: {  	s25 =	sor.u32 $0x7, s14;
	[smem:$0x7F7] =	sst s24  }
0x14: {  	s26 =	sor.u32 $0x6, s14;
	[smem:$0x7F8] =	sst s25  }
0x15: {  	s28 =	sor.u32 $0x5, s14;
	[smem:$0x7F9] =	sst s26  }
0x16: {  	s29 =	sor.u32 $0x4, s14;
	[smem:$0x7FA] =	sst s28  }
0x17: {  	s30 =	sor.u32 $0x3, s14;
	[smem:$0x7FB] =	sst s29  }
0x18: {  	s31 =	sor.u32 $0x2, s14;
	s0 =	smul.u32 $0x7000, s16;
	[smem:$0x7FC] =	sst s30  }
0x19: {  	[smem:$0x7FD] =	sst s31  }
0x1a: {  	s1 =	simm.s32 $0x0;
	s23 =	simm.s32 $0x1;
	[smem:$0x7F1] =	sst s0  }
.LBB2_1:
0x1b: {  	s0 =	sld [smem:$0x7EE];
	_ =	sdelay $0x1  }
0x1c: {  	[smem:$0x7ED] =	sst s1;
	s6 =	simm.s32 $0x0;
	s19 =	simm.s32 $0xE000  }
0x1d: {  	[tilespmem:s19], [sflag:$0x1] =	stream.linear.gather [hbm4b:s0+s6], $0x80, $0x38;
	[tilespmem:$0xE080] =	vst v63  }
0x1e: {  	s20 =	rddreg [dreg:$0x0]  }
0x1f: {  	[tilespmem:s6], [sflag:$0x1] =	stream.linear.gather [hbm4b:s20+s6], $0xDF80, $0x38;
	[tilespmem:$0xE080] =	vst v63  }
0x20: {  	_ =	swait.ge [sflag:s23], $0x80  }
0x21: {  	[sflag:s23] =	ssyncset.done $0x0  }
0x22: {  	[sflag:s23] =	ssyncadd.s32 $0xFFFFFF80  }
0x23: {  	_ =	swait.ge [sflag:s23], $0xDF80  }
0x24: {  	[sflag:s23] =	ssyncset.done $0x0  }
0x25: {  	[sflag:s23] =	ssyncadd.s32 $0xFFFF2080  }
0x26: {  	v0 =	vld [tilespmem:$0xE000];
	_ =	sdelay $0x4  }
0x27: {  	(v2sf) =	vpush v0, $0x0;
	_ =	sdelay $0x9  }
0x28: {  	s19 =	sld [smem:$0x7F4];
	_ =	sdelay $0x1  }
0x29: {  	s18 =	sld [smem:$0x7F0]  }
0x2a: {  	s20 =	sld [smem:$0x7F5];
	s4 =	sshrl.u32 s19, $0x5  }
0x2b: {  	s29 =	sld [smem:$0x7FC];
	s7 =	smulhi.u32 $0x24924925, s4  }
0x2c: {  	s4 =	sld [smem:$0x7FD];
	s13 =	spop (v2sf)  }
0x2d: {  	s21 =	sadd.s32 $0x1, s13;
	[dreg:$0x13] =	wrdreg s13  }
0x2e: {  	s22 =	sadd.s32 $0xD, s13;
	[dreg:$0x6] =	wrdreg s21  }
0x2f: {  	s24 =	sadd.s32 $0xC, s13;
	[dreg:$0x7] =	wrdreg s22  }
0x30: {  	s25 =	sadd.s32 $0xB, s13;
	[dreg:$0x8] =	wrdreg s24  }
0x31: {  	s26 =	sadd.s32 $0xA, s13;
	[dreg:$0x9] =	wrdreg s25  }
0x32: {  	s28 =	sadd.s32 $0x9, s13;
	[dreg:$0xa] =	wrdreg s26  }
0x33: {  	s1 =	sadd.s32 $0x8, s13;
	s12 =	sadd.s32 $0x2, s13;
	s21 =	sld [smem:$0x7F6]  }
0x34: {  	s11 =	sadd.s32 $0x3, s13;
	[dreg:$0x12] =	wrdreg s12;
	s12 =	sshrl.u32 s29, $0x5  }
0x35: {  	[dreg:$0x11] =	wrdreg s11;
	s11 =	sshrl.u32 s20, $0x5;
	s12 =	smulhi.u32 $0x24924925, s12  }
0x36: {  	s2 =	sadd.s32 $0x7, s13;
	s22 =	sld [smem:$0x7F8];
	s11 =	smulhi.u32 $0x24924925, s11  }
0x37: {  	s3 =	sadd.s32 $0x6, s13;
	s24 =	sld [smem:$0x7F9];
	s12 =	smul.u32 $0xE0, s12  }
0x38: {  	[dreg:$0xb] =	wrdreg s28;
	s5 =	sshrl.u32 s21, $0x5;
	s11 =	smul.u32 $0xE0, s11  }
0x39: {  	[dreg:$0xd] =	wrdreg s2;
	s2 =	sshrl.u32 s22, $0x5;
	s0 =	smulhi.u32 $0x24924925, s5  }
0x3a: {  	[dreg:$0xe] =	wrdreg s3;
	s3 =	sshrl.u32 s24, $0x5;
	s2 =	smulhi.u32 $0x24924925, s2  }
0x3b: {  	s10 =	sshrl.u32 s4, $0x5;
	[dreg:$0xc] =	wrdreg s1;
	s1 =	smulhi.u32 $0x24924925, s3  }
0x3c: {  	s8 =	sadd.s32 $0x5, s13;
	s26 =	rddreg [dreg:$0x1c];
	s5 =	smul.u32 $0xE0, s0  }
0x3d: {  	[dreg:$0xf] =	wrdreg s8;
	s8 =	sshrl.u32 s26, $0x5;
	s0 =	smulhi.u32 $0x24924925, s10  }
0x3e: {  	s9 =	sadd.s32 $0x4, s13;
	s25 =	sld [smem:$0x7FA];
	s10 =	smulhi.u32 $0x24924925, s8  }
0x3f: {  	s14 =	sshrl.u32 s18, $0x5;
	[dreg:$0x10] =	wrdreg s9;
	s9 =	smul.u32 $0xE0, s2  }
0x40: {  	s31 =	sadd.s32 $0xE, s4;
	s28 =	sld [smem:$0x7FB];
	s2 =	smulhi.u32 $0x24924925, s14  }
0x41: {  	s4 =	rddreg [dreg:$0x6];
	s16 =	sshrl.u32 s25, $0x5;
	s15 =	smul.u32 $0xE0, s10  }
0x42: {  	s8 =	sadd.s32 $0x0, s26;
	s14 =	rddreg [dreg:$0x4];
	s0 =	smul.u32 $0xE0, s0  }
0x43: {  	s14 =	sadd.s32 s17, s14;
	s3 =	ssub.s32 s13, s15;
	s13 =	smulhi.u32 $0x24924925, s16  }
0x44: {  	s15 =	sshrl.u32 s28, $0x5;
	s16 =	smul.u32 $0x620000, s2;
	s28 =	sadd.s32 $0xE, s28  }
0x45: {  	s2 =	smul.u32 $0xE0, s2;
	s3 =	sadd.s32 s3, s8;
	[dreg:$0x17] =	wrdreg s28  }
0x46: {  	s28 =	sadd.s32 $0xE, s25;
	s25 =	rddreg [dreg:$0x11];
	p0 =	sgt.s32 s3, $0x0  }
0x47: {  	s2 =	ssub.s32 s4, s2;
	[dreg:$0x18] =	wrdreg s28;
	s3 =	simm.s32 @!p0 $0x0  }
0x48: {  	s4 =	sld [smem:$0x7F1];
	s2 =	sadd.s32 s2, s8;
	s3 =	smin.u32 s3, $0xDF  }
0x49: {  	s13 =	smul.u32 $0xE0, s13;
	p0 =	sgt.s32 s2, $0x0;
	s3 =	sshll.u32 s3, $0x7  }
0x4a: {  	[hbm4b:s14+s6] =	stream.linear.scatter [tilespmem:s3], [sflag:$0x1], $0x7000, $0x38;
	[tilespmem:$0xE080] =	vst v63  }
0x4b: {  	s2 =	simm.s32 @!p0 $0x0;
	s3 =	smul.u32 $0x620000, s10;
	s10 =	rddreg [dreg:$0x12]  }
0x4c: {  	s14 =	rddreg [dreg:$0x5];
	s2 =	smin.u32 s2, $0xDF;
	s0 =	ssub.s32 s10, s0  }
0x4d: {  	s14 =	sadd.s32 s17, s14;
	s2 =	sshll.u32 s2, $0x7;
	s10 =	sadd.s32 $0xE, s24  }
0x4e: {  	s24 =	rddreg [dreg:$0xf];
	s3 =	sadd.s32 s3, s4;
	s0 =	sadd.s32 s0, s8  }
0x4f: {  	s28 =	sadd.s32 $0x1C00, s14;
	[dreg:$0x19] =	wrdreg s10;
	s13 =	ssub.s32 s24, s13  }
0x50: {  	s24 =	sadd.s32 $0x3800, s14;
	s3 =	ssub.s32 s3, s16;
	p0 =	sgt.s32 s0, $0x0  }
0x51: {  	s16 =	smulhi.u32 $0x24924925, s15;
	s15 =	rddreg [dreg:$0xb];
	s13 =	sadd.s32 s13, s8  }
0x52: {  	s3 =	sshrl.u32 s3, $0x3;
	s0 =	simm.s32 @!p0 $0x0;
	p1 =	sgt.s32 s13, $0x0  }
0x53: {  	s15 =	ssub.s32 s15, s5;
	s5 =	sadd.s32 $0xE, s20;
	s10 =	smul.u32 $0xE0, s16  }
0x54: {  	s3 =	sadd.s32 s17, s3;
	s0 =	smin.u32 s0, $0xDF;
	s16 =	smul.u32 $0xE0, s1  }
0x55: {  	[hbm4b:s3+s6] =	stream.linear.scatter [tilespmem:s2], [sflag:$0x1], $0x7000, $0x38;
	[tilespmem:$0xE080] =	vst v63  }
0x56: {  	s13 =	simm.s32 @!p1 $0x0;
	s2 =	ssub.s32 s25, s12;
	s25 =	rddreg [dreg:$0x10]  }
0x57: {  	s0 =	sshll.u32 s0, $0x7;
	s3 =	sld [smem:$0x7F7];
	s13 =	smin.u32 s13, $0xDF  }
0x58: {  	s2 =	sadd.s32 s2, s8;
	s10 =	ssub.s32 s25, s10;
	s25 =	sadd.s32 $0x4600, s14  }
0x59: {  	[hbm4b:s28+s6] =	stream.linear.scatter [tilespmem:s0], [sflag:$0x1], $0x7000, $0x38;
	[tilespmem:$0xE080] =	vst v63  }
0x5a: {  	s28 =	sadd.s32 $0xE, s22;
	p0 =	sgt.s32 s2, $0x0;
	s0 =	sadd.s32 $0x2A00, s14  }
0x5b: {  	s10 =	sadd.s32 s10, s8;
	[dreg:$0x1a] =	wrdreg s28;
	s2 =	simm.s32 @!p0 $0x0  }
0x5c: {  	p0 =	sgt.s32 s10, $0x0;
	s12 =	sshrl.u32 s3, $0x5;
	s2 =	smin.u32 s2, $0xDF  }
0x5d: {  	s28 =	rddreg [dreg:$0xe];
	s10 =	simm.s32 @!p0 $0x0;
	s2 =	sshll.u32 s2, $0x7  }
0x5e: {  	s22 =	smin.u32 s10, $0xDF;
	s10 =	ssub.s32 s28, s16;
	s16 =	sld [smem:$0x7F3]  }
0x5f: {  	[hbm4b:s0+s6] =	stream.linear.scatter [tilespmem:s2], [sflag:$0x1], $0x7000, $0x38;
	[tilespmem:$0xE080] =	vst v63  }
0x60: {  	s1 =	sshll.u32 s22, $0x7;
	s0 =	sadd.s32 $0xE, s3;
	s3 =	rddreg [dreg:$0xc]  }
0x61: {  	s2 =	smulhi.u32 $0x24924925, s12;
	s12 =	sadd.s32 $0xE, s21;
	s22 =	rddreg [dreg:$0x8]  }
0x62: {  	s13 =	sshll.u32 s13, $0x7;
	s10 =	sadd.s32 s10, s8;
	[dreg:$0x1d] =	wrdreg s12  }
0x63: {  	s12 =	smul.u32 $0xE0, s7;
	s7 =	sadd.s32 s15, s8;
	s15 =	rddreg [dreg:$0xa]  }
0x64: {  	[hbm4b:s24+s6] =	stream.linear.scatter [tilespmem:s1], [sflag:$0x1], $0x7000, $0x38;
	[tilespmem:$0xE080] =	vst v63  }
0x65: {  	s21 =	sadd.s32 $0x6200, s14;
	p0 =	sgt.s32 s10, $0x0;
	s1 =	rddreg [dreg:$0xd]  }
0x66: {  	s2 =	smul.u32 $0xE0, s2;
	s10 =	simm.s32 @!p0 $0x0;
	p1 =	sgt.s32 s7, $0x0  }
0x67: {  	s20 =	sshrl.u32 s16, $0x5;
	s24 =	sadd.s32 $0x7000, s14;
	s9 =	ssub.s32 s1, s9  }
0x68: {  	s10 =	smin.u32 s10, $0xDF;
	s7 =	simm.s32 @!p1 $0x0;
	s1 =	sadd.s32 $0x7E00, s14  }
0x69: {  	[hbm4b:s25+s6] =	stream.linear.scatter [tilespmem:s13], [sflag:$0x1], $0x7000, $0x38;
	[tilespmem:$0xE080] =	vst v63  }
0x6a: {  	s9 =	sadd.s32 s9, s8;
	s2 =	ssub.s32 s3, s2;
	s13 =	sadd.s32 $0x5400, s14  }
0x6b: {  	s10 =	sshll.u32 s10, $0x7;
	s7 =	smin.u32 s7, $0xDF;
	s3 =	rddreg [dreg:$0x9]  }
0x6c: {  	p0 =	sgt.s32 s9, $0x0;
	s2 =	sadd.s32 s2, s8;
	s25 =	sshll.u32 s7, $0x7  }
0x6d: {  	[hbm4b:s13+s6] =	stream.linear.scatter [tilespmem:s10], [sflag:$0x1], $0x7000, $0x38;
	[tilespmem:$0xE080] =	vst v63  }
0x6e: {  	s9 =	simm.s32 @!p0 $0x0;
	s10 =	ssub.s32 s15, s11;
	s15 =	sld [smem:$0x7F2]  }
0x6f: {  	p0 =	sgt.s32 s2, $0x0;
	s13 =	smulhi.u32 $0x24924925, s20;
	s20 =	rddreg [dreg:$0x7]  }
0x70: {  	s9 =	smin.u32 s9, $0xDF;
	s2 =	simm.s32 @!p0 $0x0;
	s10 =	sadd.s32 s10, s8  }
0x71: {  	s9 =	sshll.u32 s9, $0x7;
	s2 =	smin.u32 s2, $0xDF;
	p0 =	sgt.s32 s10, $0x0  }
0x72: {  	[hbm4b:s21+s6] =	stream.linear.scatter [tilespmem:s9], [sflag:$0x1], $0x7000, $0x38;
	[tilespmem:$0xE080] =	vst v63  }
0x73: {  	s13 =	smul.u32 $0xE0, s13;
	s2 =	sshll.u32 s2, $0x7;
	s10 =	simm.s32 @!p0 $0x0  }
0x74: {  	[hbm4b:s24+s6] =	stream.linear.scatter [tilespmem:s2], [sflag:$0x1], $0x7000, $0x38;
	[tilespmem:$0xE080] =	vst v63  }
0x75: {  	s28 =	smin.u32 s10, $0xDF;
	s10 =	sadd.s32 $0x8C00, s14;
	s2 =	ssub.s32 s3, s12  }
0x76: {  	s11 =	ssub.s32 s22, s13;
	s22 =	sadd.s32 $0x9A00, s14;
	s2 =	sadd.s32 s2, s8  }
0x77: {  	[hbm4b:s1+s6] =	stream.linear.scatter [tilespmem:s25], [sflag:$0x1], $0x7000, $0x38;
	[tilespmem:$0xE080] =	vst v63  }
0x78: {  	s7 =	sshll.u32 s28, $0x7;
	s11 =	sadd.s32 s11, s8;
	p0 =	sgt.s32 s2, $0x0  }
0x79: {  	[hbm4b:s10+s6] =	stream.linear.scatter [tilespmem:s7], [sflag:$0x1], $0x7000, $0x38;
	[tilespmem:$0xE080] =	vst v63  }
0x7a: {  	s2 =	simm.s32 @!p0 $0x0;
	p0 =	sgt.s32 s11, $0x0;
	s7 =	sadd.s32 $0xE, s16  }
0x7b: {  	s16 =	sshrl.u32 s15, $0x5;
	s2 =	smin.u32 s2, $0xDF;
	s11 =	simm.s32 @!p0 $0x0  }
0x7c: {  	s10 =	smulhi.u32 $0x24924925, s16;
	s24 =	smin.u32 s11, $0xDF;
	s2 =	sshll.u32 s2, $0x7  }
0x7d: {  	[hbm4b:s22+s6] =	stream.linear.scatter [tilespmem:s2], [sflag:$0x1], $0x7000, $0x38;
	[tilespmem:$0xE080] =	vst v63  }
0x7e: {  	s25 =	sadd.s32 $0xA800, s14;
	s28 =	sshll.u32 s24, $0x7;
	s21 =	smul.u32 $0xE0, s10  }
0x7f: {  	[hbm4b:s25+s6] =	stream.linear.scatter [tilespmem:s28], [sflag:$0x1], $0x7000, $0x38;
	[tilespmem:$0xE080] =	vst v63  }
0x80: {  	s12 =	ssub.s32 s20, s21  }
0x81: {  	s30 =	simm.s32 $0xE;
	s29 =	sadd.s32 $0xE, s29;
	s8 =	sadd.s32 s12, s8  }
0x82: {  	[dreg:$0x1b] =	wrdreg s0;
	s9 =	sadd.s32 $0xE, s19;
	p0 =	sgt.s32 s8, $0x0  }
0x83: {  	s13 =	sadd.s32 $0xC400, s17;
	s11 =	sadd.s32 $0x62000, s4;
	s8 =	simm.s32 @!p0 $0x0  }
0x84: {  	s2 =	sadd.s32 $0xB600, s14;
	s14 =	sadd.s32 $0xE, s26;
	s8 =	smin.u32 s8, $0xDF  }
0x85: {  	s10 =	sadd.s32 $0xE, s15;
	s12 =	sadd.s32 $0xE, s18;
	s8 =	sshll.u32 s8, $0x7  }
.LBB2_2:
0x86: {  	s22 =	simm.s32 $0x0;
	s15 =	smov.u32 s30;
	s0 =	smov.u32 s7  }
0x87: {  	[hbm4b:s2+s22] =	stream.linear.scatter [tilespmem:s8], [sflag:$0x1], $0x7000, $0x38;
	[tilespmem:$0xE080] =	vst v63  }
0x88: {  	p0 =	sne.s32 s30, $0x2A;
	s30 =	sadd.s32 $0xE, s30;
	[dreg:$0x1e] =	wrdreg s0  }
0x89: {  	[dreg:$0x14] =	wrdreg s30  }
0x8a: {  	s26 =	rddreg [dreg:$0x1b];
	_ =	swait.ge [sflag:s23], $0x7000  }
0x8b: {  	[sflag:s23] =	ssyncset.done $0x0  }
0x8c: {  	[sflag:s23] =	ssyncadd.s32 $0xFFFF9000  }
0x8d: {  	_ =	swait.ge [sflag:s23], $0x7000  }
0x8e: {  	[sflag:s23] =	ssyncset.done $0x0  }
0x8f: {  	[sflag:s23] =	ssyncadd.s32 $0xFFFF9000  }
0x90: {  	_ =	swait.ge [sflag:s23], $0x7000  }
0x91: {  	[sflag:s23] =	ssyncset.done $0x0  }
0x92: {  	[sflag:s23] =	ssyncadd.s32 $0xFFFF9000  }
0x93: {  	s25 =	sshrl.u32 s9, $0x5;
	_ =	swait.ge [sflag:s23], $0x7000  }
0x94: {  	s18 =	sshrl.u32 s5, $0x5;
	s21 =	sshrl.u32 s14, $0x5;
	[sflag:s23] =	ssyncset.done $0x0  }
0x95: {  	s6 =	sshrl.u32 s29, $0x5;
	s29 =	sadd.s32 $0xE, s29;
	[sflag:s23] =	ssyncadd.s32 $0xFFFF9000  }
0x96: {  	s9 =	sadd.s32 $0xE, s9;
	s14 =	sadd.s32 $0xE, s14;
	_ =	swait.ge [sflag:s23], $0x7000  }
0x97: {  	s16 =	smov.u32 s26;
	s28 =	smulhi.u32 $0x24924925, s25;
	[sflag:s23] =	ssyncset.done $0x0  }
0x98: {  	s8 =	smov.u32 s7;
	s7 =	smov.u32 s5;
	[sflag:s23] =	ssyncadd.s32 $0xFFFF9000  }
0x99: {  	s6 =	smulhi.u32 $0x24924925, s6;
	_ =	swait.ge [sflag:s23], $0x7000;
	[dreg:$0x1f] =	wrdreg s28  }
0x9a: {  	s25 =	sshrl.u32 s12, $0x5;
	s18 =	smulhi.u32 $0x24924925, s18;
	s5 =	rddreg [dreg:$0x1d]  }
0x9b: {  	s6 =	smul.u32 $0xE0, s6;
	s28 =	sshrl.u32 s31, $0x5;
	s30 =	rddreg [dreg:$0x1a]  }
0x9c: {  	s31 =	sadd.s32 $0xE, s31;
	[sflag:s23] =	ssyncset.done $0x0;
	s3 =	rddreg [dreg:$0x19]  }
0x9d: {  	s2 =	smulhi.u32 $0x24924925, s28;
	s19 =	sshrl.u32 s5, $0x5;
	[sflag:s23] =	ssyncadd.s32 $0xFFFF9000  }
0x9e: {  	s20 =	sshrl.u32 s30, $0x5;
	_ =	swait.ge [sflag:s23], $0x7000;
	s19 =	smulhi.u32 $0x24924925, s19  }
0x9f: {  	s0 =	sshrl.u32 s3, $0x5;
	s4 =	smulhi.u32 $0x24924925, s20;
	[sflag:s23] =	ssyncset.done $0x0  }
0xa0: {  	s3 =	sadd.s32 $0xE, s3;
	s24 =	smulhi.u32 $0x24924925, s0;
	[sflag:s23] =	ssyncadd.s32 $0xFFFF9000  }
0xa1: {  	s30 =	sadd.s32 $0xE, s30;
	s2 =	smul.u32 $0xE0, s2;
	_ =	swait.ge [sflag:s23], $0x7000  }
0xa2: {  	s20 =	smul.u32 $0xE0, s19;
	[sflag:s23] =	ssyncset.done $0x0;
	s1 =	rddreg [dreg:$0x18]  }
0xa3: {  	s24 =	smul.u32 $0xE0, s24;
	s0 =	rddreg [dreg:$0x17];
	[sflag:s23] =	ssyncadd.s32 $0xFFFF9000  }
0xa4: {  	s19 =	sshrl.u32 s1, $0x5;
	s17 =	sshrl.u32 s0, $0x5;
	_ =	swait.ge [sflag:s23], $0x7000  }
0xa5: {  	s0 =	sadd.s32 $0xE, s0;
	[dreg:$0x15] =	wrdreg s31;
	[sflag:s23] =	ssyncset.done $0x0  }
0xa6: {  	s1 =	sadd.s32 $0xE, s1;
	s28 =	rddreg [dreg:$0x1c];
	[sflag:s23] =	ssyncadd.s32 $0xFFFF9000  }
0xa7: {  	s17 =	smulhi.u32 $0x24924925, s17;
	_ =	swait.ge [sflag:s23], $0x7000;
	[dreg:$0x16] =	wrdreg s29  }
0xa8: {  	s15 =	sadd.s32 s15, s28;
	[dreg:$0x17] =	wrdreg s0;
	[sflag:s23] =	ssyncset.done $0x0  }
0xa9: {  	s28 =	smulhi.u32 $0x24924925, s21;
	[dreg:$0x18] =	wrdreg s1;
	[sflag:s23] =	ssyncadd.s32 $0xFFFF9000  }
0xaa: {  	s21 =	smul.u32 $0xE0, s4;
	_ =	swait.ge [sflag:s23], $0x7000;
	[dreg:$0x19] =	wrdreg s3  }
0xab: {  	s26 =	sadd.s32 $0xE, s26;
	s1 =	smul.u32 $0xE0, s18;
	[dreg:$0x1a] =	wrdreg s30  }
0xac: {  	s4 =	smulhi.u32 $0x24924925, s25;
	[dreg:$0x1b] =	wrdreg s26;
	[sflag:s23] =	ssyncset.done $0x0  }
0xad: {  	s25 =	smulhi.u32 $0x24924925, s19;
	[smem:$0x7EC] =	sst s1;
	[sflag:s23] =	ssyncadd.s32 $0xFFFF9000  }
0xae: {  	s12 =	sadd.s32 $0xE, s12;
	s17 =	smul.u32 $0xE0, s17;
	_ =	swait.ge [sflag:s23], $0x7000  }
0xaf: {  	s7 =	smov.u32 s7;
	s19 =	smul.u32 $0xE0, s28;
	[sflag:s23] =	ssyncset.done $0x0  }
0xb0: {  	s8 =	smov.u32 s8;
	s29 =	smul.u32 $0x620000, s4;
	[sflag:s23] =	ssyncadd.s32 $0xFFFF9000  }
0xb1: {  	s4 =	smul.u32 $0xE0, s4;
	s3 =	rddreg [dreg:$0x13];
	_ =	swait.ge [sflag:s23], $0x7000  }
0xb2: {  	s5 =	sadd.s32 $0xE, s5;
	s28 =	smul.u32 $0x620000, s28;
	[sflag:s23] =	ssyncset.done $0x0  }
0xb3: {  	s25 =	smul.u32 $0xE0, s25;
	[dreg:$0x1d] =	wrdreg s5;
	[sflag:s23] =	ssyncadd.s32 $0xFFFF9000  }
0xb4: {  	s26 =	sshrl.u32 s16, $0x5;
	s28 =	sadd.s32 s28, s11;
	_ =	swait.ge [sflag:s23], $0x7000  }
0xb5: {  	s11 =	sadd.s32 $0x62000, s11;
	s19 =	ssub.s32 s3, s19;
	s30 =	rddreg [dreg:$0xd]  }
0xb6: {  	s19 =	sadd.s32 s19, s15;
	s5 =	sadd.s32 $0xE, s7;
	s31 =	rddreg [dreg:$0xb]  }
0xb7: {  	s7 =	sadd.s32 $0xE, s8;
	p1 =	sgt.s32 s19, $0x0;
	s18 =	rddreg [dreg:$0xf]  }
0xb8: {  	s8 =	smulhi.u32 $0x24924925, s26;
	s19 =	simm.s32 @!p1 $0x0;
	s3 =	rddreg [dreg:$0x12]  }
0xb9: {  	s19 =	smin.u32 s19, $0xDF;
	[sflag:s23] =	ssyncset.done $0x0;
	s1 =	rddreg [dreg:$0x6]  }
0xba: {  	s19 =	sshll.u32 s19, $0x7;
	s16 =	rddreg [dreg:$0x11];
	[sflag:s23] =	ssyncadd.s32 $0xFFFF9000  }
0xbb: {  	s0 =	ssub.s32 s18, s25;
	s31 =	ssub.s32 s31, s20;
	s18 =	rddreg [dreg:$0x5]  }
0xbc: {  	s4 =	ssub.s32 s1, s4;
	s21 =	ssub.s32 s30, s21;
	s2 =	ssub.s32 s3, s2  }
0xbd: {  	s3 =	ssub.s32 s16, s6;
	s1 =	ssub.s32 s28, s29;
	s28 =	rddreg [dreg:$0x4]  }
0xbe: {  	s25 =	smul.u32 $0xE0, s8;
	s30 =	rddreg [dreg:$0xe];
	s4 =	sadd.s32 s4, s15  }
0xbf: {  	s6 =	sadd.s32 s2, s15;
	s26 =	sadd.s32 s21, s15;
	s16 =	rddreg [dreg:$0x2]  }
0xc0: {  	s2 =	sshrl.u32 s1, $0x3;
	s8 =	sadd.s32 s13, s18;
	s18 =	rddreg [dreg:$0xc]  }
0xc1: {  	s28 =	sadd.s32 s13, s28;
	s3 =	sadd.s32 s3, s15;
	s0 =	sadd.s32 s0, s15  }
0xc2: {  	s13 =	sadd.s32 $0xC400, s13;
	p2 =	sgt.s32 s4, $0x0;
	s29 =	sadd.s32 s16, s2  }
0xc3: {  	p1 =	sgt.s32 s26, $0x0;
	s20 =	sadd.s32 $0x4600, s8;
	s21 =	sadd.s32 $0x3800, s8  }
0xc4: {  	s1 =	sadd.s32 $0x1C00, s8;
	s25 =	ssub.s32 s18, s25;
	s2 =	sadd.s32 $0x2A00, s8  }
0xc5: {  	[hbm4b:s28+s22] =	stream.linear.scatter [tilespmem:s19], [sflag:$0x1], $0x7000, $0x38;
	[tilespmem:$0xE080] =	vst v63  }
0xc6: {  	s28 =	rddreg [dreg:$0x1f];
	s18 =	ssub.s32 s30, s24;
	p3 =	sgt.s32 s0, $0x0  }
0xc7: {  	s4 =	simm.s32 @!p2 $0x0;
	p2 =	sgt.s32 s6, $0x0;
	s19 =	sadd.s32 s25, s15  }
0xc8: {  	s25 =	sadd.s32 s31, s15;
	s28 =	smul.u32 $0xE0, s28;
	s26 =	simm.s32 @!p1 $0x0  }
0xc9: {  	s16 =	sadd.s32 s18, s15;
	s18 =	sshrl.u32 s10, $0x5;
	s0 =	simm.s32 @!p3 $0x0  }
0xca: {  	s10 =	sadd.s32 $0xE, s10;
	s31 =	rddreg [dreg:$0xa];
	s4 =	smin.u32 s4, $0xDF  }
0xcb: {  	s6 =	simm.s32 @!p2 $0x0;
	p1 =	sgt.s32 s19, $0x0;
	p2 =	sgt.s32 s3, $0x0  }
0xcc: {  	s24 =	smin.u32 s26, $0xDF;
	s0 =	smin.u32 s0, $0xDF;
	s26 =	rddreg [dreg:$0x1e]  }
0xcd: {  	s6 =	smin.u32 s6, $0xDF;
	s19 =	simm.s32 @!p1 $0x0;
	p1 =	sgt.s32 s25, $0x0  }
0xce: {  	s3 =	simm.s32 @!p2 $0x0;
	p2 =	sgt.s32 s16, $0x0;
	s4 =	sshll.u32 s4, $0x7  }
0xcf: {  	s0 =	sshll.u32 s0, $0x7;
	s3 =	smin.u32 s3, $0xDF;
	s25 =	simm.s32 @!p1 $0x0  }
0xd0: {  	[hbm4b:s29+s22] =	stream.linear.scatter [tilespmem:s4], [sflag:$0x1], $0x7000, $0x38;
	[tilespmem:$0xE080] =	vst v63  }
0xd1: {  	s16 =	simm.s32 @!p2 $0x0;
	s4 =	smulhi.u32 $0x24924925, s18;
	s18 =	sshrl.u32 s26, $0x5  }
0xd2: {  	s29 =	rddreg [dreg:$0x10];
	s6 =	sshll.u32 s6, $0x7;
	s19 =	smin.u32 s19, $0xDF  }
0xd3: {  	s26 =	smulhi.u32 $0x24924925, s18;
	s30 =	smin.u32 s16, $0xDF;
	s18 =	rddreg [dreg:$0x8]  }
0xd4: {  	s25 =	smin.u32 s25, $0xDF;
	s17 =	ssub.s32 s29, s17;
	s29 =	rddreg [dreg:$0x16]  }
0xd5: {  	s3 =	sshll.u32 s3, $0x7;
	s16 =	smul.u32 $0xE0, s4;
	s17 =	sadd.s32 s17, s15  }
0xd6: {  	[hbm4b:s1+s22] =	stream.linear.scatter [tilespmem:s6], [sflag:$0x1], $0x7000, $0x38;
	[tilespmem:$0xE080] =	vst v63  }
0xd7: {  	s4 =	rddreg [dreg:$0x9];
	s25 =	sshll.u32 s25, $0x7;
	s26 =	smul.u32 $0xE0, s26  }
0xd8: {  	p1 =	sgt.s32 s17, $0x0;
	s28 =	ssub.s32 s4, s28;
	s4 =	sshll.u32 s19, $0x7  }
0xd9: {  	[hbm4b:s2+s22] =	stream.linear.scatter [tilespmem:s3], [sflag:$0x1], $0x7000, $0x38;
	[tilespmem:$0xE080] =	vst v63  }
0xda: {  	s19 =	sadd.s32 $0x8C00, s8;
	s3 =	sadd.s32 $0x6200, s8;
	s17 =	simm.s32 @!p1 $0x0  }
0xdb: {  	s2 =	sadd.s32 s28, s15;
	s28 =	sshll.u32 s30, $0x7;
	s30 =	rddreg [dreg:$0x14]  }
0xdc: {  	s1 =	ssub.s32 s18, s26;
	s26 =	sld [smem:$0x7EC];
	s18 =	sshll.u32 s24, $0x7  }
0xdd: {  	s24 =	sadd.s32 $0x5400, s8;
	s17 =	smin.u32 s17, $0xDF;
	p1 =	sgt.s32 s2, $0x0  }
0xde: {  	s17 =	sshll.u32 s17, $0x7;
	s2 =	simm.s32 @!p1 $0x0;
	s1 =	sadd.s32 s1, s15  }
0xdf: {  	[hbm4b:s21+s22] =	stream.linear.scatter [tilespmem:s17], [sflag:$0x1], $0x7000, $0x38;
	[tilespmem:$0xE080] =	vst v63  }
0xe0: {  	s2 =	smin.u32 s2, $0xDF;
	s17 =	rddreg [dreg:$0x7];
	s6 =	ssub.s32 s31, s26  }
0xe1: {  	[hbm4b:s20+s22] =	stream.linear.scatter [tilespmem:s0], [sflag:$0x1], $0x7000, $0x38;
	[tilespmem:$0xE080] =	vst v63  }
0xe2: {  	p1 =	sgt.s32 s1, $0x0;
	s21 =	sadd.s32 $0x7E00, s8;
	s6 =	sadd.s32 s6, s15  }
0xe3: {  	[hbm4b:s24+s22] =	stream.linear.scatter [tilespmem:s28], [sflag:$0x1], $0x7000, $0x38;
	[tilespmem:$0xE080] =	vst v63  }
0xe4: {  	s31 =	rddreg [dreg:$0x15];
	s26 =	sadd.s32 $0x7000, s8;
	p2 =	sgt.s32 s6, $0x0  }
0xe5: {  	[hbm4b:s3+s22] =	stream.linear.scatter [tilespmem:s18], [sflag:$0x1], $0x7000, $0x38;
	[tilespmem:$0xE080] =	vst v63  }
0xe6: {  	s1 =	simm.s32 @!p1 $0x0;
	s0 =	ssub.s32 s17, s16;
	s6 =	simm.s32 @!p2 $0x0  }
0xe7: {  	[hbm4b:s26+s22] =	stream.linear.scatter [tilespmem:s4], [sflag:$0x1], $0x7000, $0x38;
	[tilespmem:$0xE080] =	vst v63  }
0xe8: {  	s2 =	sshll.u32 s2, $0x7;
	s0 =	sadd.s32 s0, s15;
	s6 =	smin.u32 s6, $0xDF  }
0xe9: {  	[hbm4b:s21+s22] =	stream.linear.scatter [tilespmem:s25], [sflag:$0x1], $0x7000, $0x38;
	[tilespmem:$0xE080] =	vst v63  }
0xea: {  	s20 =	sadd.s32 $0x9A00, s8;
	p1 =	sgt.s32 s0, $0x0;
	s26 =	sshll.u32 s6, $0x7  }
0xeb: {  	[hbm4b:s19+s22] =	stream.linear.scatter [tilespmem:s26], [sflag:$0x1], $0x7000, $0x38;
	[tilespmem:$0xE080] =	vst v63  }
.Ltmp0:
0xec: {  	s1 =	smin.u32 s1, $0xDF;
	s0 =	simm.s32 @!p1 $0x0;
	(pc) =	sbr.rel @p0 .LBB2_2-.Ltmp0, $4  }
0xed: {  	s1 =	sshll.u32 s1, $0x7;
	s28 =	sadd.s32 $0xA800, s8;
	s0 =	smin.u32 s0, $0xDF  }
0xee: {  	[hbm4b:s20+s22] =	stream.linear.scatter [tilespmem:s2], [sflag:$0x1], $0x7000, $0x38;
	[tilespmem:$0xE080] =	vst v63  }
0xef: {  	s3 =	simm.s32 $0x0;
	s2 =	sadd.s32 $0xB600, s8;
	s8 =	sshll.u32 s0, $0x7  }
0xf0: {  	[hbm4b:s28+s22] =	stream.linear.scatter [tilespmem:s1], [sflag:$0x1], $0x7000, $0x38;
	[tilespmem:$0xE080] =	vst v63  }
0xf1: {  	[hbm4b:s2+s3] =	stream.linear.scatter [tilespmem:s8], [sflag:$0x1], $0x7000, $0x38;
	[tilespmem:$0xE080] =	vst v63  }
0xf2: {  	_ =	swait.ge [sflag:s23], $0x7000  }
0xf3: {  	[sflag:s23] =	ssyncset.done $0x0  }
0xf4: {  	[sflag:s23] =	ssyncadd.s32 $0xFFFF9000  }
0xf5: {  	_ =	swait.ge [sflag:s23], $0x7000  }
0xf6: {  	[sflag:s23] =	ssyncset.done $0x0  }
0xf7: {  	[sflag:s23] =	ssyncadd.s32 $0xFFFF9000  }
0xf8: {  	_ =	swait.ge [sflag:s23], $0x7000  }
0xf9: {  	[sflag:s23] =	ssyncset.done $0x0  }
0xfa: {  	[sflag:s23] =	ssyncadd.s32 $0xFFFF9000  }
0xfb: {  	_ =	swait.ge [sflag:s23], $0x7000  }
0xfc: {  	[sflag:s23] =	ssyncset.done $0x0  }
0xfd: {  	[sflag:s23] =	ssyncadd.s32 $0xFFFF9000  }
0xfe: {  	_ =	swait.ge [sflag:s23], $0x7000  }
0xff: {  	[sflag:s23] =	ssyncset.done $0x0  }
0x100: {  	[sflag:s23] =	ssyncadd.s32 $0xFFFF9000  }
0x101: {  	_ =	swait.ge [sflag:s23], $0x7000  }
0x102: {  	[sflag:s23] =	ssyncset.done $0x0  }
0x103: {  	[sflag:s23] =	ssyncadd.s32 $0xFFFF9000  }
0x104: {  	_ =	swait.ge [sflag:s23], $0x7000  }
0x105: {  	[sflag:s23] =	ssyncset.done $0x0  }
0x106: {  	[sflag:s23] =	ssyncadd.s32 $0xFFFF9000  }
0x107: {  	_ =	swait.ge [sflag:s23], $0x7000  }
0x108: {  	[sflag:s23] =	ssyncset.done $0x0  }
0x109: {  	[sflag:s23] =	ssyncadd.s32 $0xFFFF9000  }
0x10a: {  	_ =	swait.ge [sflag:s23], $0x7000  }
0x10b: {  	[sflag:s23] =	ssyncset.done $0x0  }
0x10c: {  	[sflag:s23] =	ssyncadd.s32 $0xFFFF9000  }
0x10d: {  	_ =	swait.ge [sflag:s23], $0x7000  }
0x10e: {  	[sflag:s23] =	ssyncset.done $0x0  }
0x10f: {  	[sflag:s23] =	ssyncadd.s32 $0xFFFF9000  }
0x110: {  	_ =	swait.ge [sflag:s23], $0x7000  }
0x111: {  	[sflag:s23] =	ssyncset.done $0x0  }
0x112: {  	[sflag:s23] =	ssyncadd.s32 $0xFFFF9000  }
0x113: {  	_ =	swait.ge [sflag:s23], $0x7000  }
0x114: {  	[sflag:s23] =	ssyncset.done $0x0  }
0x115: {  	[sflag:s23] =	ssyncadd.s32 $0xFFFF9000  }
0x116: {  	_ =	swait.ge [sflag:s23], $0x7000  }
0x117: {  	[sflag:s23] =	ssyncset.done $0x0  }
0x118: {  	[sflag:s23] =	ssyncadd.s32 $0xFFFF9000  }
0x119: {  	_ =	swait.ge [sflag:s23], $0x7000  }
0x11a: {  	s1 =	sld [smem:$0x7ED]  }
0x11b: {  	s0 =	sld [smem:$0x7EF];
	_ =	sdelay $0x1  }
0x11c: {  	s1 =	sadd.s32 $0x1, s1  }
0x11d: {  	p0 =	sne.s32 s1, s0  }
.Ltmp1:
0x11e: {  	_ = 	snop;
	(pc) =	sbr.rel @p0 .LBB2_1-.Ltmp1, $4  }
0x11f: {  	_ = 	snop  }
0x120: {  	[sflag:s23] =	ssyncset.done $0x0  }
0x121: {  	[sflag:s23] =	ssyncadd.s32 $0xFFFF9000  }
0x122: {  	s17 =	rddreg [dreg:$0x2]  }
0x123: {  	_ =	sfence.sel $0x180000  }
0x124: {  	[bflag:$0x0] =	sbarrier.arrive $0xFFFF  }
0x125: {  	_ =	strace $0x90000047  }
0x126: {  	s0 =	stileid.u32;
	[bflag:$0x2] =	sbarrier.arrive $0xFFFF  }
0x127: {  	p0 =	sne.s32 s0, $0x0;
	s0 =	rddreg [dreg:$0x3]  }
0x128: {  	s0 =	sadd.s32 @!p0 $0x100000, s0  }
0x129: {  	[sflag:s0] =	ssyncadd.tile.s32 @!p0 $0x1;
	_ =	shalt  }
.Lfunc_end2:
_tile_overlayer_lowered:
.L_overlay_start_2:
0x12a: {  	(tag) =	ssettag $0x2  }
0x12b: {  	s0 =	rddreg [dreg:$0x0];
	s2 =	stileid.u32  }
0x12c: {  	s1 =	rddreg [dreg:$0x1];
	p0 =	sne.s32 s2, $0x0  }
0x12d: {  	s3 =	rddreg [dreg:$0x2];
	[bflag:$0x3] =	sbarrier.arrive $0xFFFF;
	s2 =	simm.s32 @!p0 $0x1C02  }
0x12e: {  	[timem:s3], [sflag:s2] =	dma.local @!p0 [hbm:s0], s1  }
0x12f: {  	s0 =	simm.s32 @!p0 $0x2  }
0x130: {  	_ =	swait.ge @!p0 [sflag:s0], s1  }
0x131: {  	s1 =	ssub.s32 @!p0 $0x0, s1;
	[sflag:s0] =	ssyncset.done @!p0 $0x0  }
0x132: {  	[sflag:s0] =	ssyncadd.s32 @!p0 s1  }
0x133: {  	[bflag:$0x3] =	sbarrier.arrive $0xFFFF  }
0x134: {  	_ =	shalt  }

</sc_bundles>
